<compile_context>
chip_gen: v7x
topology: tpu7x:2x2x1
jax: 0.10.2.dev20260603
libtpu: 0.0.44.dev20260713+nightly
codegen_flags: <defaults>
</compile_context>

<pallas_src>
import functools
import math

import jax
import jax.numpy as jnp
from jax import lax
from jax.experimental import pallas as pl
from jax.experimental.pallas import tpu as pltpu
from jax.experimental.pallas import tpu_sc as plsc

D = 128
L = 16
NC, NS = 2, 16
NW = NC * NS
CHUNK = 128
NBUF = 5
LEAD = 4
SCALE = math.sqrt(D)


def _emb_body(idx_hbm, table_hbm, out_hbm, idx_v, rows_v, gsem, ssem):
    S, B = idx_hbm.shape
    n_chunks = S
    wid = lax.axis_index("s") * NC + lax.axis_index("c")
    col0 = wid * CHUNK

    pltpu.sync_copy(idx_hbm.at[:, pl.ds(col0, CHUNK)], idx_v)

    def start_gather(j, b):
        pltpu.async_copy(table_hbm.at[idx_v.at[j]], rows_v.at[b], gsem.at[b])

    def wait_gather(b):
        pltpu.make_async_copy(
            table_hbm.at[idx_v.at[0]], rows_v.at[b], gsem.at[b]
        ).wait()

    def start_scatter(j, b):
        pltpu.async_copy(
            rows_v.at[b], out_hbm.at[pl.ds(j * B + col0, CHUNK)], ssem.at[b]
        )

    def wait_scatter(b):
        pltpu.make_async_copy(
            rows_v.at[b], out_hbm.at[pl.ds(col0, CHUNK)], ssem.at[b]
        ).wait()

    for b in range(LEAD):
        start_gather(b, b)

    def group(g, carry):
        for b in range(NBUF):
            j = g * NBUF + b
            jn = j + LEAD
            bn = (b + LEAD) % NBUF

            @pl.when(jn < n_chunks)
            def _():
                @pl.when(jn >= NBUF)
                def _():
                    wait_scatter(bn)
                start_gather(jn, bn)

            wait_gather(b)

            @plsc.parallel_loop(0, CHUNK, unroll=4)
            def scale_row(r):
                for c in range(D // L):
                    rows_v[b, r, pl.ds(c * L, L)] = (
                        rows_v[b, r, pl.ds(c * L, L)] * SCALE
                    )

            start_scatter(j, b)
        return carry

    lax.fori_loop(0, n_chunks // NBUF, group, 0)

    for b in range(NBUF):
        wait_scatter(b)


def kernel(x, table):
    B, S = x.shape
    n_tok = B * S

    run = functools.partial(
        pl.kernel,
        out_type=jax.ShapeDtypeStruct((n_tok, D), jnp.float32),
        mesh=plsc.VectorSubcoreMesh(
            core_axis_name="c", subcore_axis_name="s",
            num_cores=NC, num_subcores=NS,
        ),
        scratch_types=[
            pltpu.VMEM((S, CHUNK), jnp.int32),
            pltpu.VMEM((NBUF, CHUNK, D), jnp.float32),
            pltpu.SemaphoreType.DMA((NBUF,)),
            pltpu.SemaphoreType.DMA((NBUF,)),
        ],
    )(_emb_body)

    out = run(x.T.astype(jnp.int32), table)
    return out.reshape(S, B, D).transpose(1, 0, 2)

# --- scband reference (transcript-rebuilt; emitter-appended) ---
"""Pipeline reference for scband-token-embedding-80152679678479 (READ-ONLY COPY).

The authoritative reference and input builder live on the scoring server;
editing this copy changes nothing except your own understanding.
"""

import jax, jax.numpy as jnp
import numpy as np
import math

VOCAB = 100000
D_MODEL = 128
PAD_IDX = 0

def setup_inputs(seed: int = 0) -> dict:
    key = jax.random.key(seed)
    k1, k2 = jax.random.split(key)
    x = jax.random.randint(k1, (4096, 50), 0, VOCAB)
    table = jax.random.normal(k2, (VOCAB, D_MODEL), dtype=jnp.float32)
    # nn.Embedding(padding_idx=0) zeros the padding row at init
    table = table.at[PAD_IDX].set(0.0)
    return {"x": x, "table": table}

def reference(x, table):
    d_model = table.shape[1]
    emb = jnp.take(table, x, axis=0)
    return emb * math.sqrt(d_model)

if __name__ == "__main__":
    import jax
    _d = setup_inputs()
    print(jax.jit(kernel)(*tuple(_d.values())))

</pallas_src>

<mosaic_0001>
#map = affine_map<(d0, d1) -> (0, 0)>
module attributes {stable_mosaic.version = 14 : i64} {
  func.func @_emb_body(%arg0: i32, %arg1: i32, %arg2: memref<50x4096xi32, #tpu.memory_space<hbm>>, %arg3: memref<100000x128xf32, #tpu.memory_space<hbm>>, %arg4: memref<204800x128xf32, #tpu.memory_space<hbm>>, %arg5: memref<50x128xi32, #tpu.memory_space<vmem>>, %arg6: memref<5x128x128xf32, #tpu.memory_space<vmem>>, %arg7: memref<5x!tpu.dma_semaphore, #tpu.memory_space<semaphore_mem>>, %arg8: memref<5x!tpu.dma_semaphore, #tpu.memory_space<semaphore_mem>>) attributes {dimension_semantics = [#tpu.dimension_semantics<core_parallel>, #tpu.dimension_semantics<subcore_parallel>], iteration_bounds = array<i64: 2, 16>, scalar_prefetch = 0 : i64, scratch_operands = 4 : i64, tpu.core_type = #tpu.core_type<sc_vector_subcore>, window_params = [{transform_indices = #map}, {transform_indices = #map}, {transform_indices = #map}]} {
    %mul3A = arith.constant 2 : i32
    %mul3A_0 = arith.muli %arg1, %mul3A : i32
    %add3A = arith.addi %mul3A_0, %arg0 : i32
    %mul3A_1 = arith.constant 128 : i32
    %mul3A_2 = arith.muli %add3A, %mul3A_1 : i32
    "tpu.region"() ({
      %run_scoped3A = tpu.sem_alloc : memref<!tpu.dma_semaphore, #tpu.memory_space<semaphore_mem>>
      %dma_start3A_146 = arith.constant 0 : i32
      %dma_start3A_147 = tpu.memref_slice %arg2[%dma_start3A_146, %mul3A_2] : memref<50x4096xi32, #tpu.memory_space<hbm>> -> memref<50x128xi32, #tpu.memory_space<hbm>>
      %dma_start3A_148 = arith.constant 0 : i32
      %dma_start3A_149 = tpu.memref_slice %arg2[%dma_start3A_148, %mul3A_2] : memref<50x4096xi32, #tpu.memory_space<hbm>> -> memref<50x128xi32, #tpu.memory_space<hbm>>
      tpu.enqueue_dma source(%dma_start3A_149 : memref<50x128xi32, #tpu.memory_space<hbm>>) target(%arg5 : memref<50x128xi32, #tpu.memory_space<vmem>>) target_semaphore(%run_scoped3A : memref<!tpu.dma_semaphore, #tpu.memory_space<semaphore_mem>>)
      %dma_wait3A_150 = arith.constant 0 : i32
      %dma_wait3A_151 = tpu.memref_slice %arg2[%dma_wait3A_150, %mul3A_2] : memref<50x4096xi32, #tpu.memory_space<hbm>> -> memref<50x128xi32, #tpu.memory_space<hbm>>
      %dma_wait3A_152 = arith.constant 0 : i32
      %dma_wait3A_153 = tpu.memref_slice %arg2[%dma_wait3A_152, %mul3A_2] : memref<50x4096xi32, #tpu.memory_space<hbm>> -> memref<50x128xi32, #tpu.memory_space<hbm>>
      tpu.wait_dma2 semaphore(%run_scoped3A : memref<!tpu.dma_semaphore, #tpu.memory_space<semaphore_mem>>) src(%dma_wait3A_153 : memref<50x128xi32, #tpu.memory_space<hbm>>) dst(%arg5 : memref<50x128xi32, #tpu.memory_space<vmem>>)
      tpu.yield
    }) : () -> ()
    %dma_start3A = arith.constant 0 : i32
    %dma_start3A_3 = arith.constant 0 : i32
    %dma_start3A_4 = arith.constant 0 : i32
    %dma_start3A_5 = arith.constant 0 : i32
    %dma_start3A_6 = arith.constant 0 : i32
    %dma_start3A_7 = tpu.memref_slice %arg6[%dma_start3A_3, %dma_start3A_5, %dma_start3A_6] : memref<5x128x128xf32, #tpu.memory_space<vmem>> -> memref<1x128x128xf32, #tpu.memory_space<vmem>>
    %dma_start3A_8 = tpu.memref_squeeze %dma_start3A_7 : memref<1x128x128xf32, #tpu.memory_space<vmem>> -> memref<128x128xf32, #tpu.memory_space<vmem>>
    %dma_start3A_9 = arith.constant 0 : i32
    %dma_start3A_10 = tpu.memref_slice %arg5[%dma_start3A, %dma_start3A_9] : memref<50x128xi32, #tpu.memory_space<vmem>> -> memref<1x128xi32, #tpu.memory_space<vmem>>
    %dma_start3A_11 = tpu.memref_squeeze %dma_start3A_10 : memref<1x128xi32, #tpu.memory_space<vmem>> -> memref<128xi32, #tpu.memory_space<vmem>>
    %dma_start3A_12 = arith.constant 0 : i32
    %dma_start3A_13 = arith.constant 0 : i32
    %dma_start3A_14 = tpu.memref_slice %arg3[%dma_start3A_12, %dma_start3A_13] : memref<100000x128xf32, #tpu.memory_space<hbm>> -> memref<100000x128xf32, #tpu.memory_space<hbm>>
    %dma_start3A_15 = tpu.memref_slice %arg7[%dma_start3A_4] : memref<5x!tpu.dma_semaphore, #tpu.memory_space<semaphore_mem>> -> memref<1x!tpu.dma_semaphore, #tpu.memory_space<semaphore_mem>>
    %dma_start3A_16 = tpu.memref_squeeze %dma_start3A_15 : memref<1x!tpu.dma_semaphore, #tpu.memory_space<semaphore_mem>> -> memref<!tpu.dma_semaphore, #tpu.memory_space<semaphore_mem>>
    tpu.enqueue_indirect_dma source(%dma_start3A_14 : memref<100000x128xf32, #tpu.memory_space<hbm>>) target(%dma_start3A_8 : memref<128x128xf32, #tpu.memory_space<vmem>>) offsets(%dma_start3A_11 : memref<128xi32, #tpu.memory_space<vmem>>) semaphore(%dma_start3A_16 : memref<!tpu.dma_semaphore, #tpu.memory_space<semaphore_mem>>)
    %dma_start3A_17 = arith.constant 1 : i32
    %dma_start3A_18 = arith.constant 1 : i32
    %dma_start3A_19 = arith.constant 1 : i32
    %dma_start3A_20 = arith.constant 0 : i32
    %dma_start3A_21 = arith.constant 0 : i32
    %dma_start3A_22 = tpu.memref_slice %arg6[%dma_start3A_18, %dma_start3A_20, %dma_start3A_21] : memref<5x128x128xf32, #tpu.memory_space<vmem>> -> memref<1x128x128xf32, #tpu.memory_space<vmem>>
    %dma_start3A_23 = tpu.memref_squeeze %dma_start3A_22 : memref<1x128x128xf32, #tpu.memory_space<vmem>> -> memref<128x128xf32, #tpu.memory_space<vmem>>
    %dma_start3A_24 = arith.constant 0 : i32
    %dma_start3A_25 = tpu.memref_slice %arg5[%dma_start3A_17, %dma_start3A_24] : memref<50x128xi32, #tpu.memory_space<vmem>> -> memref<1x128xi32, #tpu.memory_space<vmem>>
    %dma_start3A_26 = tpu.memref_squeeze %dma_start3A_25 : memref<1x128xi32, #tpu.memory_space<vmem>> -> memref<128xi32, #tpu.memory_space<vmem>>
    %dma_start3A_27 = arith.constant 0 : i32
    %dma_start3A_28 = arith.constant 0 : i32
    %dma_start3A_29 = tpu.memref_slice %arg3[%dma_start3A_27, %dma_start3A_28] : memref<100000x128xf32, #tpu.memory_space<hbm>> -> memref<100000x128xf32, #tpu.memory_space<hbm>>
    %dma_start3A_30 = tpu.memref_slice %arg7[%dma_start3A_19] : memref<5x!tpu.dma_semaphore, #tpu.memory_space<semaphore_mem>> -> memref<1x!tpu.dma_semaphore, #tpu.memory_space<semaphore_mem>>
    %dma_start3A_31 = tpu.memref_squeeze %dma_start3A_30 : memref<1x!tpu.dma_semaphore, #tpu.memory_space<semaphore_mem>> -> memref<!tpu.dma_semaphore, #tpu.memory_space<semaphore_mem>>
    tpu.enqueue_indirect_dma source(%dma_start3A_29 : memref<100000x128xf32, #tpu.memory_space<hbm>>) target(%dma_start3A_23 : memref<128x128xf32, #tpu.memory_space<vmem>>) offsets(%dma_start3A_26 : memref<128xi32, #tpu.memory_space<vmem>>) semaphore(%dma_start3A_31 : memref<!tpu.dma_semaphore, #tpu.memory_space<semaphore_mem>>)
    %dma_start3A_32 = arith.constant 2 : i32
    %dma_start3A_33 = arith.constant 2 : i32
    %dma_start3A_34 = arith.constant 2 : i32
    %dma_start3A_35 = arith.constant 0 : i32
    %dma_start3A_36 = arith.constant 0 : i32
    %dma_start3A_37 = tpu.memref_slice %arg6[%dma_start3A_33, %dma_start3A_35, %dma_start3A_36] : memref<5x128x128xf32, #tpu.memory_space<vmem>> -> memref<1x128x128xf32, #tpu.memory_space<vmem>>
    %dma_start3A_38 = tpu.memref_squeeze %dma_start3A_37 : memref<1x128x128xf32, #tpu.memory_space<vmem>> -> memref<128x128xf32, #tpu.memory_space<vmem>>
    %dma_start3A_39 = arith.constant 0 : i32
    %dma_start3A_40 = tpu.memref_slice %arg5[%dma_start3A_32, %dma_start3A_39] : memref<50x128xi32, #tpu.memory_space<vmem>> -> memref<1x128xi32, #tpu.memory_space<vmem>>
    %dma_start3A_41 = tpu.memref_squeeze %dma_start3A_40 : memref<1x128xi32, #tpu.memory_space<vmem>> -> memref<128xi32, #tpu.memory_space<vmem>>
    %dma_start3A_42 = arith.constant 0 : i32
    %dma_start3A_43 = arith.constant 0 : i32
    %dma_start3A_44 = tpu.memref_slice %arg3[%dma_start3A_42, %dma_start3A_43] : memref<100000x128xf32, #tpu.memory_space<hbm>> -> memref<100000x128xf32, #tpu.memory_space<hbm>>
    %dma_start3A_45 = tpu.memref_slice %arg7[%dma_start3A_34] : memref<5x!tpu.dma_semaphore, #tpu.memory_space<semaphore_mem>> -> memref<1x!tpu.dma_semaphore, #tpu.memory_space<semaphore_mem>>
    %dma_start3A_46 = tpu.memref_squeeze %dma_start3A_45 : memref<1x!tpu.dma_semaphore, #tpu.memory_space<semaphore_mem>> -> memref<!tpu.dma_semaphore, #tpu.memory_space<semaphore_mem>>
    tpu.enqueue_indirect_dma source(%dma_start3A_44 : memref<100000x128xf32, #tpu.memory_space<hbm>>) target(%dma_start3A_38 : memref<128x128xf32, #tpu.memory_space<vmem>>) offsets(%dma_start3A_41 : memref<128xi32, #tpu.memory_space<vmem>>) semaphore(%dma_start3A_46 : memref<!tpu.dma_semaphore, #tpu.memory_space<semaphore_mem>>)
    %dma_start3A_47 = arith.constant 3 : i32
    %dma_start3A_48 = arith.constant 3 : i32
    %dma_start3A_49 = arith.constant 3 : i32
    %dma_start3A_50 = arith.constant 0 : i32
    %dma_start3A_51 = arith.constant 0 : i32
    %dma_start3A_52 = tpu.memref_slice %arg6[%dma_start3A_48, %dma_start3A_50, %dma_start3A_51] : memref<5x128x128xf32, #tpu.memory_space<vmem>> -> memref<1x128x128xf32, #tpu.memory_space<vmem>>
    %dma_start3A_53 = tpu.memref_squeeze %dma_start3A_52 : memref<1x128x128xf32, #tpu.memory_space<vmem>> -> memref<128x128xf32, #tpu.memory_space<vmem>>
    %dma_start3A_54 = arith.constant 0 : i32
    %dma_start3A_55 = tpu.memref_slice %arg5[%dma_start3A_47, %dma_start3A_54] : memref<50x128xi32, #tpu.memory_space<vmem>> -> memref<1x128xi32, #tpu.memory_space<vmem>>
    %dma_start3A_56 = tpu.memref_squeeze %dma_start3A_55 : memref<1x128xi32, #tpu.memory_space<vmem>> -> memref<128xi32, #tpu.memory_space<vmem>>
    %dma_start3A_57 = arith.constant 0 : i32
    %dma_start3A_58 = arith.constant 0 : i32
    %dma_start3A_59 = tpu.memref_slice %arg3[%dma_start3A_57, %dma_start3A_58] : memref<100000x128xf32, #tpu.memory_space<hbm>> -> memref<100000x128xf32, #tpu.memory_space<hbm>>
    %dma_start3A_60 = tpu.memref_slice %arg7[%dma_start3A_49] : memref<5x!tpu.dma_semaphore, #tpu.memory_space<semaphore_mem>> -> memref<1x!tpu.dma_semaphore, #tpu.memory_space<semaphore_mem>>
    %dma_start3A_61 = tpu.memref_squeeze %dma_start3A_60 : memref<1x!tpu.dma_semaphore, #tpu.memory_space<semaphore_mem>> -> memref<!tpu.dma_semaphore, #tpu.memory_space<semaphore_mem>>
    tpu.enqueue_indirect_dma source(%dma_start3A_59 : memref<100000x128xf32, #tpu.memory_space<hbm>>) target(%dma_start3A_53 : memref<128x128xf32, #tpu.memory_space<vmem>>) offsets(%dma_start3A_56 : memref<128xi32, #tpu.memory_space<vmem>>) semaphore(%dma_start3A_61 : memref<!tpu.dma_semaphore, #tpu.memory_space<semaphore_mem>>)
    %scan3A = arith.constant 0 : i32
    %scan3A_62 = arith.constant 0 : i32
    %scan3A_63 = arith.constant 10 : i32
    %scan3A_64 = arith.addi %scan3A_62, %scan3A_63 : i32
    %scan3A_65 = arith.constant 1 : i32
    scf.for %scan3A_146 = %scan3A_62 to %scan3A_64 step %scan3A_65  : i32 {
      %mul3A_147 = arith.constant 5 : i32
      %mul3A_148 = arith.muli %scan3A_146, %mul3A_147 : i32
      %add3A_149 = arith.constant 0 : i32
      %add3A_150 = arith.addi %mul3A_148, %add3A_149 : i32
      %add3A_151 = arith.constant 4 : i32
      %add3A_152 = arith.addi %add3A_150, %add3A_151 : i32
      %lt3A = arith.constant 50 : i32
      %lt3A_153 = arith.cmpi slt, %add3A_152, %lt3A : i32
      %convert_element_type3A = arith.extui %lt3A_153 : i1 to i32
      %cond3A = arith.constant 0 : i32
      %cond3A_154 = arith.cmpi ne, %convert_element_type3A, %cond3A : i32
      scf.if %cond3A_154 {
        %ge3A = arith.constant 5 : i32
        %ge3A_383 = arith.cmpi sge, %add3A_152, %ge3A : i32
        %convert_element_type3A_384 = arith.extui %ge3A_383 : i1 to i32
        %cond3A_385 = arith.constant 0 : i32
        %cond3A_386 = arith.cmpi ne, %convert_element_type3A_384, %cond3A_385 : i32
        scf.if %cond3A_386 {
          %dma_wait3A_401 = arith.constant 4 : i32
          %dma_wait3A_402 = arith.constant 4 : i32
          %dma_wait3A_403 = arith.constant 0 : i32
          %dma_wait3A_404 = arith.constant 0 : i32
          %dma_wait3A_405 = tpu.memref_slice %arg6[%dma_wait3A_401, %dma_wait3A_403, %dma_wait3A_404] : memref<5x128x128xf32, #tpu.memory_space<vmem>> -> memref<1x128x128xf32, #tpu.memory_space<vmem>>
          %dma_wait3A_406 = tpu.memref_squeeze %dma_wait3A_405 : memref<1x128x128xf32, #tpu.memory_space<vmem>> -> memref<128x128xf32, #tpu.memory_space<vmem>>
          %dma_wait3A_407 = arith.constant 0 : i32
          %dma_wait3A_408 = tpu.memref_slice %arg4[%mul3A_2, %dma_wait3A_407] : memref<204800x128xf32, #tpu.memory_space<hbm>> -> memref<128x128xf32, #tpu.memory_space<hbm>>
          %dma_wait3A_409 = tpu.memref_slice %arg8[%dma_wait3A_402] : memref<5x!tpu.dma_semaphore, #tpu.memory_space<semaphore_mem>> -> memref<1x!tpu.dma_semaphore, #tpu.memory_space<semaphore_mem>>
          %dma_wait3A_410 = tpu.memref_squeeze %dma_wait3A_409 : memref<1x!tpu.dma_semaphore, #tpu.memory_space<semaphore_mem>> -> memref<!tpu.dma_semaphore, #tpu.memory_space<semaphore_mem>>
          %dma_wait3A_411 = arith.constant 0 : i32
          %dma_wait3A_412 = tpu.memref_slice %arg4[%mul3A_2, %dma_wait3A_411] : memref<204800x128xf32, #tpu.memory_space<hbm>> -> memref<128x128xf32, #tpu.memory_space<hbm>>
          %dma_wait3A_413 = arith.constant 0 : i32
          %dma_wait3A_414 = arith.constant 0 : i32
          %dma_wait3A_415 = tpu.memref_slice %arg6[%dma_wait3A_401, %dma_wait3A_413, %dma_wait3A_414] : memref<5x128x128xf32, #tpu.memory_space<vmem>> -> memref<1x128x128xf32, #tpu.memory_space<vmem>>
          %dma_wait3A_416 = tpu.memref_squeeze %dma_wait3A_415 : memref<1x128x128xf32, #tpu.memory_space<vmem>> -> memref<128x128xf32, #tpu.memory_space<vmem>>
          tpu.wait_dma2 semaphore(%dma_wait3A_410 : memref<!tpu.dma_semaphore, #tpu.memory_space<semaphore_mem>>) src(%dma_wait3A_416 : memref<128x128xf32, #tpu.memory_space<vmem>>) dst(%dma_wait3A_412 : memref<128x128xf32, #tpu.memory_space<hbm>>)
        } else {
        }
        %dma_start3A_387 = arith.constant 4 : i32
        %dma_start3A_388 = arith.constant 4 : i32
        %dma_start3A_389 = arith.constant 0 : i32
        %dma_start3A_390 = arith.constant 0 : i32
        %dma_start3A_391 = tpu.memref_slice %arg6[%dma_start3A_387, %dma_start3A_389, %dma_start3A_390] : memref<5x128x128xf32, #tpu.memory_space<vmem>> -> memref<1x128x128xf32, #tpu.memory_space<vmem>>
        %dma_start3A_392 = tpu.memref_squeeze %dma_start3A_391 : memref<1x128x128xf32, #tpu.memory_space<vmem>> -> memref<128x128xf32, #tpu.memory_space<vmem>>
        %dma_start3A_393 = arith.constant 0 : i32
        %dma_start3A_394 = tpu.memref_slice %arg5[%add3A_152, %dma_start3A_393] : memref<50x128xi32, #tpu.memory_space<vmem>> -> memref<1x128xi32, #tpu.memory_space<vmem>>
        %dma_start3A_395 = tpu.memref_squeeze %dma_start3A_394 : memref<1x128xi32, #tpu.memory_space<vmem>> -> memref<128xi32, #tpu.memory_space<vmem>>
        %dma_start3A_396 = arith.constant 0 : i32
        %dma_start3A_397 = arith.constant 0 : i32
        %dma_start3A_398 = tpu.memref_slice %arg3[%dma_start3A_396, %dma_start3A_397] : memref<100000x128xf32, #tpu.memory_space<hbm>> -> memref<100000x128xf32, #tpu.memory_space<hbm>>
        %dma_start3A_399 = tpu.memref_slice %arg7[%dma_start3A_388] : memref<5x!tpu.dma_semaphore, #tpu.memory_space<semaphore_mem>> -> memref<1x!tpu.dma_semaphore, #tpu.memory_space<semaphore_mem>>
        %dma_start3A_400 = tpu.memref_squeeze %dma_start3A_399 : memref<1x!tpu.dma_semaphore, #tpu.memory_space<semaphore_mem>> -> memref<!tpu.dma_semaphore, #tpu.memory_space<semaphore_mem>>
        tpu.enqueue_indirect_dma source(%dma_start3A_398 : memref<100000x128xf32, #tpu.memory_space<hbm>>) target(%dma_start3A_392 : memref<128x128xf32, #tpu.memory_space<vmem>>) offsets(%dma_start3A_395 : memref<128xi32, #tpu.memory_space<vmem>>) semaphore(%dma_start3A_400 : memref<!tpu.dma_semaphore, #tpu.memory_space<semaphore_mem>>)
      } else {
      }
      %dma_wait3A_155 = arith.constant 0 : i32
      %dma_wait3A_156 = arith.constant 0 : i32
      %dma_wait3A_157 = arith.constant 0 : i32
      %dma_wait3A_158 = arith.constant 0 : i32
      %dma_wait3A_159 = arith.constant 0 : i32
      %dma_wait3A_160 = tpu.memref_slice %arg6[%dma_wait3A_156, %dma_wait3A_158, %dma_wait3A_159] : memref<5x128x128xf32, #tpu.memory_space<vmem>> -> memref<1x128x128xf32, #tpu.memory_space<vmem>>
      %dma_wait3A_161 = tpu.memref_squeeze %dma_wait3A_160 : memref<1x128x128xf32, #tpu.memory_space<vmem>> -> memref<128x128xf32, #tpu.memory_space<vmem>>
      %dma_wait3A_162 = arith.constant 0 : i32
      %dma_wait3A_163 = tpu.memref_slice %arg5[%dma_wait3A_155, %dma_wait3A_162] : memref<50x128xi32, #tpu.memory_space<vmem>> -> memref<1x128xi32, #tpu.memory_space<vmem>>
      %dma_wait3A_164 = tpu.memref_squeeze %dma_wait3A_163 : memref<1x128xi32, #tpu.memory_space<vmem>> -> memref<128xi32, #tpu.memory_space<vmem>>
      %dma_wait3A_165 = arith.constant 0 : i32
      %dma_wait3A_166 = arith.constant 0 : i32
      %dma_wait3A_167 = tpu.memref_slice %arg3[%dma_wait3A_165, %dma_wait3A_166] : memref<100000x128xf32, #tpu.memory_space<hbm>> -> memref<100000x128xf32, #tpu.memory_space<hbm>>
      %dma_wait3A_168 = tpu.memref_slice %arg7[%dma_wait3A_157] : memref<5x!tpu.dma_semaphore, #tpu.memory_space<semaphore_mem>> -> memref<1x!tpu.dma_semaphore, #tpu.memory_space<semaphore_mem>>
      %dma_wait3A_169 = tpu.memref_squeeze %dma_wait3A_168 : memref<1x!tpu.dma_semaphore, #tpu.memory_space<semaphore_mem>> -> memref<!tpu.dma_semaphore, #tpu.memory_space<semaphore_mem>>
      tpu.wait_indirect_dma semaphore(%dma_wait3A_169 : memref<!tpu.dma_semaphore, #tpu.memory_space<semaphore_mem>>) src(%dma_wait3A_167 : memref<100000x128xf32, #tpu.memory_space<hbm>>) dst(%dma_wait3A_161 : memref<128x128xf32, #tpu.memory_space<vmem>>)
      %parallel_loop3A = arith.constant 0 : i32
      %parallel_loop3A_170 = arith.constant 128 : i32
      %parallel_loop3A_171 = arith.constant 1 : i32
      scf.for %parallel_loop3A_383 = %parallel_loop3A to %parallel_loop3A_170 step %parallel_loop3A_171  : i32 {
        %parallel_loop3A_384 = arith.constant 0 : i32
        %parallel_loop3A_385 = arith.index_cast %parallel_loop3A_384 : i32 to index
        %parallel_loop3A_386 = arith.index_cast %parallel_loop3A_383 : i32 to index
        %parallel_loop3A_387 = arith.constant 0 : index
        %parallel_loop3A_388 = tpu.vector_load %arg6[%parallel_loop3A_385, %parallel_loop3A_386, %parallel_loop3A_387] {strides = array<i32>} : memref<5x128x128xf32, #tpu.memory_space<vmem>>, vector<1x1x16xf32>,
        %parallel_loop3A_389 = vector.shape_cast %parallel_loop3A_388 : vector<1x1x16xf32> to vector<16xf32>
        %parallel_loop3A_390 = arith.constant 11.3137083 : f32
        %parallel_loop3A_391 = vector.broadcast %parallel_loop3A_390 : f32 to vector<16xf32>
        %parallel_loop3A_392 = arith.mulf %parallel_loop3A_389, %parallel_loop3A_391 : vector<16xf32>
        %parallel_loop3A_393 = arith.constant 0 : i32
        %parallel_loop3A_394 = arith.index_cast %parallel_loop3A_393 : i32 to index
        %parallel_loop3A_395 = arith.index_cast %parallel_loop3A_383 : i32 to index
        %parallel_loop3A_396 = arith.constant 0 : index
        %parallel_loop3A_397 = tpu.vector_load %arg6[%parallel_loop3A_394, %parallel_loop3A_395, %parallel_loop3A_396] {strides = array<i32>} : memref<5x128x128xf32, #tpu.memory_space<vmem>>, vector<1x1x16xf32>,
        %parallel_loop3A_398 = vector.shape_cast %parallel_loop3A_397 : vector<1x1x16xf32> to vector<16xf32>
        %parallel_loop3A_399 = vector.shape_cast %parallel_loop3A_392 : vector<16xf32> to vector<1x1x16xf32>
        tpu.vector_store %arg6[%parallel_loop3A_394, %parallel_loop3A_395, %parallel_loop3A_396], %parallel_loop3A_399 {strides = array<i32>} : memref<5x128x128xf32, #tpu.memory_space<vmem>>, vector<1x1x16xf32>,
        %parallel_loop3A_400 = arith.constant 0 : i32
        %parallel_loop3A_401 = arith.index_cast %parallel_loop3A_400 : i32 to index
        %parallel_loop3A_402 = arith.index_cast %parallel_loop3A_383 : i32 to index
        %parallel_loop3A_403 = arith.constant 16 : index
        %parallel_loop3A_404 = tpu.vector_load %arg6[%parallel_loop3A_401, %parallel_loop3A_402, %parallel_loop3A_403] {strides = array<i32>} : memref<5x128x128xf32, #tpu.memory_space<vmem>>, vector<1x1x16xf32>,
        %parallel_loop3A_405 = vector.shape_cast %parallel_loop3A_404 : vector<1x1x16xf32> to vector<16xf32>
        %parallel_loop3A_406 = arith.constant 11.3137083 : f32
        %parallel_loop3A_407 = vector.broadcast %parallel_loop3A_406 : f32 to vector<16xf32>
        %parallel_loop3A_408 = arith.mulf %parallel_loop3A_405, %parallel_loop3A_407 : vector<16xf32>
        %parallel_loop3A_409 = arith.constant 0 : i32
        %parallel_loop3A_410 = arith.index_cast %parallel_loop3A_409 : i32 to index
        %parallel_loop3A_411 = arith.index_cast %parallel_loop3A_383 : i32 to index
        %parallel_loop3A_412 = arith.constant 16 : index
        %parallel_loop3A_413 = tpu.vector_load %arg6[%parallel_loop3A_410, %parallel_loop3A_411, %parallel_loop3A_412] {strides = array<i32>} : memref<5x128x128xf32, #tpu.memory_space<vmem>>, vector<1x1x16xf32>,
        %parallel_loop3A_414 = vector.shape_cast %parallel_loop3A_413 : vector<1x1x16xf32> to vector<16xf32>
        %parallel_loop3A_415 = vector.shape_cast %parallel_loop3A_408 : vector<16xf32> to vector<1x1x16xf32>
        tpu.vector_store %arg6[%parallel_loop3A_410, %parallel_loop3A_411, %parallel_loop3A_412], %parallel_loop3A_415 {strides = array<i32>} : memref<5x128x128xf32, #tpu.memory_space<vmem>>, vector<1x1x16xf32>,
        %parallel_loop3A_416 = arith.constant 0 : i32
        %parallel_loop3A_417 = arith.index_cast %parallel_loop3A_416 : i32 to index
        %parallel_loop3A_418 = arith.index_cast %parallel_loop3A_383 : i32 to index
        %parallel_loop3A_419 = arith.constant 32 : index
        %parallel_loop3A_420 = tpu.vector_load %arg6[%parallel_loop3A_417, %parallel_loop3A_418, %parallel_loop3A_419] {strides = array<i32>} : memref<5x128x128xf32, #tpu.memory_space<vmem>>, vector<1x1x16xf32>,
        %parallel_loop3A_421 = vector.shape_cast %parallel_loop3A_420 : vector<1x1x16xf32> to vector<16xf32>
        %parallel_loop3A_422 = arith.constant 11.3137083 : f32
        %parallel_loop3A_423 = vector.broadcast %parallel_loop3A_422 : f32 to vector<16xf32>
        %parallel_loop3A_424 = arith.mulf %parallel_loop3A_421, %parallel_loop3A_423 : vector<16xf32>
        %parallel_loop3A_425 = arith.constant 0 : i32
        %parallel_loop3A_426 = arith.index_cast %parallel_loop3A_425 : i32 to index
        %parallel_loop3A_427 = arith.index_cast %parallel_loop3A_383 : i32 to index
        %parallel_loop3A_428 = arith.constant 32 : index
        %parallel_loop3A_429 = tpu.vector_load %arg6[%parallel_loop3A_426, %parallel_loop3A_427, %parallel_loop3A_428] {strides = array<i32>} : memref<5x128x128xf32, #tpu.memory_space<vmem>>, vector<1x1x16xf32>,
        %parallel_loop3A_430 = vector.shape_cast %parallel_loop3A_429 : vector<1x1x16xf32> to vector<16xf32>
        %parallel_loop3A_431 = vector.shape_cast %parallel_loop3A_424 : vector<16xf32> to vector<1x1x16xf32>
        tpu.vector_store %arg6[%parallel_loop3A_426, %parallel_loop3A_427, %parallel_loop3A_428], %parallel_loop3A_431 {strides = array<i32>} : memref<5x128x128xf32, #tpu.memory_space<vmem>>, vector<1x1x16xf32>,
        %parallel_loop3A_432 = arith.constant 0 : i32
        %parallel_loop3A_433 = arith.index_cast %parallel_loop3A_432 : i32 to index
        %parallel_loop3A_434 = arith.index_cast %parallel_loop3A_383 : i32 to index
        %parallel_loop3A_435 = arith.constant 48 : index
        %parallel_loop3A_436 = tpu.vector_load %arg6[%parallel_loop3A_433, %parallel_loop3A_434, %parallel_loop3A_435] {strides = array<i32>} : memref<5x128x128xf32, #tpu.memory_space<vmem>>, vector<1x1x16xf32>,
        %parallel_loop3A_437 = vector.shape_cast %parallel_loop3A_436 : vector<1x1x16xf32> to vector<16xf32>
        %parallel_loop3A_438 = arith.constant 11.3137083 : f32
        %parallel_loop3A_439 = vector.broadcast %parallel_loop3A_438 : f32 to vector<16xf32>
        %parallel_loop3A_440 = arith.mulf %parallel_loop3A_437, %parallel_loop3A_439 : vector<16xf32>
        %parallel_loop3A_441 = arith.constant 0 : i32
        %parallel_loop3A_442 = arith.index_cast %parallel_loop3A_441 : i32 to index
        %parallel_loop3A_443 = arith.index_cast %parallel_loop3A_383 : i32 to index
        %parallel_loop3A_444 = arith.constant 48 : index
        %parallel_loop3A_445 = tpu.vector_load %arg6[%parallel_loop3A_442, %parallel_loop3A_443, %parallel_loop3A_444] {strides = array<i32>} : memref<5x128x128xf32, #tpu.memory_space<vmem>>, vector<1x1x16xf32>,
        %parallel_loop3A_446 = vector.shape_cast %parallel_loop3A_445 : vector<1x1x16xf32> to vector<16xf32>
        %parallel_loop3A_447 = vector.shape_cast %parallel_loop3A_440 : vector<16xf32> to vector<1x1x16xf32>
        tpu.vector_store %arg6[%parallel_loop3A_442, %parallel_loop3A_443, %parallel_loop3A_444], %parallel_loop3A_447 {strides = array<i32>} : memref<5x128x128xf32, #tpu.memory_space<vmem>>, vector<1x1x16xf32>,
        %parallel_loop3A_448 = arith.constant 0 : i32
        %parallel_loop3A_449 = arith.index_cast %parallel_loop3A_448 : i32 to index
        %parallel_loop3A_450 = arith.index_cast %parallel_loop3A_383 : i32 to index
        %parallel_loop3A_451 = arith.constant 64 : index
        %parallel_loop3A_452 = tpu.vector_load %arg6[%parallel_loop3A_449, %parallel_loop3A_450, %parallel_loop3A_451] {strides = array<i32>} : memref<5x128x128xf32, #tpu.memory_space<vmem>>, vector<1x1x16xf32>,
        %parallel_loop3A_453 = vector.shape_cast %parallel_loop3A_452 : vector<1x1x16xf32> to vector<16xf32>
        %parallel_loop3A_454 = arith.constant 11.3137083 : f32
        %parallel_loop3A_455 = vector.broadcast %parallel_loop3A_454 : f32 to vector<16xf32>
        %parallel_loop3A_456 = arith.mulf %parallel_loop3A_453, %parallel_loop3A_455 : vector<16xf32>
        %parallel_loop3A_457 = arith.constant 0 : i32
        %parallel_loop3A_458 = arith.index_cast %parallel_loop3A_457 : i32 to index
        %parallel_loop3A_459 = arith.index_cast %parallel_loop3A_383 : i32 to index
        %parallel_loop3A_460 = arith.constant 64 : index
        %parallel_loop3A_461 = tpu.vector_load %arg6[%parallel_loop3A_458, %parallel_loop3A_459, %parallel_loop3A_460] {strides = array<i32>} : memref<5x128x128xf32, #tpu.memory_space<vmem>>, vector<1x1x16xf32>,
        %parallel_loop3A_462 = vector.shape_cast %parallel_loop3A_461 : vector<1x1x16xf32> to vector<16xf32>
        %parallel_loop3A_463 = vector.shape_cast %parallel_loop3A_456 : vector<16xf32> to vector<1x1x16xf32>
        tpu.vector_store %arg6[%parallel_loop3A_458, %parallel_loop3A_459, %parallel_loop3A_460], %parallel_loop3A_463 {strides = array<i32>} : memref<5x128x128xf32, #tpu.memory_space<vmem>>, vector<1x1x16xf32>,
        %parallel_loop3A_464 = arith.constant 0 : i32
        %parallel_loop3A_465 = arith.index_cast %parallel_loop3A_464 : i32 to index
        %parallel_loop3A_466 = arith.index_cast %parallel_loop3A_383 : i32 to index
        %parallel_loop3A_467 = arith.constant 80 : index
        %parallel_loop3A_468 = tpu.vector_load %arg6[%parallel_loop3A_465, %parallel_loop3A_466, %parallel_loop3A_467] {strides = array<i32>} : memref<5x128x128xf32, #tpu.memory_space<vmem>>, vector<1x1x16xf32>,
        %parallel_loop3A_469 = vector.shape_cast %parallel_loop3A_468 : vector<1x1x16xf32> to vector<16xf32>
        %parallel_loop3A_470 = arith.constant 11.3137083 : f32
        %parallel_loop3A_471 = vector.broadcast %parallel_loop3A_470 : f32 to vector<16xf32>
        %parallel_loop3A_472 = arith.mulf %parallel_loop3A_469, %parallel_loop3A_471 : vector<16xf32>
        %parallel_loop3A_473 = arith.constant 0 : i32
        %parallel_loop3A_474 = arith.index_cast %parallel_loop3A_473 : i32 to index
        %parallel_loop3A_475 = arith.index_cast %parallel_loop3A_383 : i32 to index
        %parallel_loop3A_476 = arith.constant 80 : index
        %parallel_loop3A_477 = tpu.vector_load %arg6[%parallel_loop3A_474, %parallel_loop3A_475, %parallel_loop3A_476] {strides = array<i32>} : memref<5x128x128xf32, #tpu.memory_space<vmem>>, vector<1x1x16xf32>,
        %parallel_loop3A_478 = vector.shape_cast %parallel_loop3A_477 : vector<1x1x16xf32> to vector<16xf32>
        %parallel_loop3A_479 = vector.shape_cast %parallel_loop3A_472 : vector<16xf32> to vector<1x1x16xf32>
        tpu.vector_store %arg6[%parallel_loop3A_474, %parallel_loop3A_475, %parallel_loop3A_476], %parallel_loop3A_479 {strides = array<i32>} : memref<5x128x128xf32, #tpu.memory_space<vmem>>, vector<1x1x16xf32>,
        %parallel_loop3A_480 = arith.constant 0 : i32
        %parallel_loop3A_481 = arith.index_cast %parallel_loop3A_480 : i32 to index
        %parallel_loop3A_482 = arith.index_cast %parallel_loop3A_383 : i32 to index
        %parallel_loop3A_483 = arith.constant 96 : index
        %parallel_loop3A_484 = tpu.vector_load %arg6[%parallel_loop3A_481, %parallel_loop3A_482, %parallel_loop3A_483] {strides = array<i32>} : memref<5x128x128xf32, #tpu.memory_space<vmem>>, vector<1x1x16xf32>,
        %parallel_loop3A_485 = vector.shape_cast %parallel_loop3A_484 : vector<1x1x16xf32> to vector<16xf32>
        %parallel_loop3A_486 = arith.constant 11.3137083 : f32
        %parallel_loop3A_487 = vector.broadcast %parallel_loop3A_486 : f32 to vector<16xf32>
        %parallel_loop3A_488 = arith.mulf %parallel_loop3A_485, %parallel_loop3A_487 : vector<16xf32>
        %parallel_loop3A_489 = arith.constant 0 : i32
        %parallel_loop3A_490 = arith.index_cast %parallel_loop3A_489 : i32 to index
        %parallel_loop3A_491 = arith.index_cast %parallel_loop3A_383 : i32 to index
        %parallel_loop3A_492 = arith.constant 96 : index
        %parallel_loop3A_493 = tpu.vector_load %arg6[%parallel_loop3A_490, %parallel_loop3A_491, %parallel_loop3A_492] {strides = array<i32>} : memref<5x128x128xf32, #tpu.memory_space<vmem>>, vector<1x1x16xf32>,
        %parallel_loop3A_494 = vector.shape_cast %parallel_loop3A_493 : vector<1x1x16xf32> to vector<16xf32>
        %parallel_loop3A_495 = vector.shape_cast %parallel_loop3A_488 : vector<16xf32> to vector<1x1x16xf32>
        tpu.vector_store %arg6[%parallel_loop3A_490, %parallel_loop3A_491, %parallel_loop3A_492], %parallel_loop3A_495 {strides = array<i32>} : memref<5x128x128xf32, #tpu.memory_space<vmem>>, vector<1x1x16xf32>,
        %parallel_loop3A_496 = arith.constant 0 : i32
        %parallel_loop3A_497 = arith.index_cast %parallel_loop3A_496 : i32 to index
        %parallel_loop3A_498 = arith.index_cast %parallel_loop3A_383 : i32 to index
        %parallel_loop3A_499 = arith.constant 112 : index
        %parallel_loop3A_500 = tpu.vector_load %arg6[%parallel_loop3A_497, %parallel_loop3A_498, %parallel_loop3A_499] {strides = array<i32>} : memref<5x128x128xf32, #tpu.memory_space<vmem>>, vector<1x1x16xf32>,
        %parallel_loop3A_501 = vector.shape_cast %parallel_loop3A_500 : vector<1x1x16xf32> to vector<16xf32>
        %parallel_loop3A_502 = arith.constant 11.3137083 : f32
        %parallel_loop3A_503 = vector.broadcast %parallel_loop3A_502 : f32 to vector<16xf32>
        %parallel_loop3A_504 = arith.mulf %parallel_loop3A_501, %parallel_loop3A_503 : vector<16xf32>
        %parallel_loop3A_505 = arith.constant 0 : i32
        %parallel_loop3A_506 = arith.index_cast %parallel_loop3A_505 : i32 to index
        %parallel_loop3A_507 = arith.index_cast %parallel_loop3A_383 : i32 to index
        %parallel_loop3A_508 = arith.constant 112 : index
        %parallel_loop3A_509 = tpu.vector_load %arg6[%parallel_loop3A_506, %parallel_loop3A_507, %parallel_loop3A_508] {strides = array<i32>} : memref<5x128x128xf32, #tpu.memory_space<vmem>>, vector<1x1x16xf32>,
        %parallel_loop3A_510 = vector.shape_cast %parallel_loop3A_509 : vector<1x1x16xf32> to vector<16xf32>
        %parallel_loop3A_511 = vector.shape_cast %parallel_loop3A_504 : vector<16xf32> to vector<1x1x16xf32>
        tpu.vector_store %arg6[%parallel_loop3A_506, %parallel_loop3A_507, %parallel_loop3A_508], %parallel_loop3A_511 {strides = array<i32>} : memref<5x128x128xf32, #tpu.memory_space<vmem>>, vector<1x1x16xf32>,
      } {sc.loop_unroll_factor = 4 : i64, sc.parallel_access}
      %mul3A_172 = arith.constant 4096 : i32
      %mul3A_173 = arith.muli %add3A_150, %mul3A_172 : i32
      %add3A_174 = arith.addi %mul3A_173, %mul3A_2 : i32
      %dma_start3A_175 = arith.constant 0 : i32
      %dma_start3A_176 = arith.constant 0 : i32
      %dma_start3A_177 = arith.constant 0 : i32
      %dma_start3A_178 = arith.constant 0 : i32
      %dma_start3A_179 = tpu.memref_slice %arg6[%dma_start3A_175, %dma_start3A_177, %dma_start3A_178] : memref<5x128x128xf32, #tpu.memory_space<vmem>> -> memref<1x128x128xf32, #tpu.memory_space<vmem>>
      %dma_start3A_180 = tpu.memref_squeeze %dma_start3A_179 : memref<1x128x128xf32, #tpu.memory_space<vmem>> -> memref<128x128xf32, #tpu.memory_space<vmem>>
      %dma_start3A_181 = arith.constant 0 : i32
      %dma_start3A_182 = tpu.memref_slice %arg4[%add3A_174, %dma_start3A_181] : memref<204800x128xf32, #tpu.memory_space<hbm>> -> memref<128x128xf32, #tpu.memory_space<hbm>>
      %dma_start3A_183 = tpu.memref_slice %arg8[%dma_start3A_176] : memref<5x!tpu.dma_semaphore, #tpu.memory_space<semaphore_mem>> -> memref<1x!tpu.dma_semaphore, #tpu.memory_space<semaphore_mem>>
      %dma_start3A_184 = tpu.memref_squeeze %dma_start3A_183 : memref<1x!tpu.dma_semaphore, #tpu.memory_space<semaphore_mem>> -> memref<!tpu.dma_semaphore, #tpu.memory_space<semaphore_mem>>
      %dma_start3A_185 = arith.constant 0 : i32
      %dma_start3A_186 = tpu.memref_slice %arg4[%add3A_174, %dma_start3A_185] : memref<204800x128xf32, #tpu.memory_space<hbm>> -> memref<128x128xf32, #tpu.memory_space<hbm>>
      %dma_start3A_187 = arith.constant 0 : i32
      %dma_start3A_188 = arith.constant 0 : i32
      %dma_start3A_189 = tpu.memref_slice %arg6[%dma_start3A_175, %dma_start3A_187, %dma_start3A_188] : memref<5x128x128xf32, #tpu.memory_space<vmem>> -> memref<1x128x128xf32, #tpu.memory_space<vmem>>
      %dma_start3A_190 = tpu.memref_squeeze %dma_start3A_189 : memref<1x128x128xf32, #tpu.memory_space<vmem>> -> memref<128x128xf32, #tpu.memory_space<vmem>>
      tpu.enqueue_dma source(%dma_start3A_190 : memref<128x128xf32, #tpu.memory_space<vmem>>) target(%dma_start3A_186 : memref<128x128xf32, #tpu.memory_space<hbm>>) target_semaphore(%dma_start3A_184 : memref<!tpu.dma_semaphore, #tpu.memory_space<semaphore_mem>>)
      %mul3A_191 = arith.constant 5 : i32
      %mul3A_192 = arith.muli %scan3A_146, %mul3A_191 : i32
      %add3A_193 = arith.constant 1 : i32
      %add3A_194 = arith.addi %mul3A_192, %add3A_193 : i32
      %add3A_195 = arith.constant 4 : i32
      %add3A_196 = arith.addi %add3A_194, %add3A_195 : i32
      %lt3A_197 = arith.constant 50 : i32
      %lt3A_198 = arith.cmpi slt, %add3A_196, %lt3A_197 : i32
      %convert_element_type3A_199 = arith.extui %lt3A_198 : i1 to i32
      %cond3A_200 = arith.constant 0 : i32
      %cond3A_201 = arith.cmpi ne, %convert_element_type3A_199, %cond3A_200 : i32
      scf.if %cond3A_201 {
        %ge3A = arith.constant 5 : i32
        %ge3A_383 = arith.cmpi sge, %add3A_196, %ge3A : i32
        %convert_element_type3A_384 = arith.extui %ge3A_383 : i1 to i32
        %cond3A_385 = arith.constant 0 : i32
        %cond3A_386 = arith.cmpi ne, %convert_element_type3A_384, %cond3A_385 : i32
        scf.if %cond3A_386 {
          %dma_wait3A_401 = arith.constant 0 : i32
          %dma_wait3A_402 = arith.constant 0 : i32
          %dma_wait3A_403 = arith.constant 0 : i32
          %dma_wait3A_404 = arith.constant 0 : i32
          %dma_wait3A_405 = tpu.memref_slice %arg6[%dma_wait3A_401, %dma_wait3A_403, %dma_wait3A_404] : memref<5x128x128xf32, #tpu.memory_space<vmem>> -> memref<1x128x128xf32, #tpu.memory_space<vmem>>
          %dma_wait3A_406 = tpu.memref_squeeze %dma_wait3A_405 : memref<1x128x128xf32, #tpu.memory_space<vmem>> -> memref<128x128xf32, #tpu.memory_space<vmem>>
          %dma_wait3A_407 = arith.constant 0 : i32
          %dma_wait3A_408 = tpu.memref_slice %arg4[%mul3A_2, %dma_wait3A_407] : memref<204800x128xf32, #tpu.memory_space<hbm>> -> memref<128x128xf32, #tpu.memory_space<hbm>>
          %dma_wait3A_409 = tpu.memref_slice %arg8[%dma_wait3A_402] : memref<5x!tpu.dma_semaphore, #tpu.memory_space<semaphore_mem>> -> memref<1x!tpu.dma_semaphore, #tpu.memory_space<semaphore_mem>>
          %dma_wait3A_410 = tpu.memref_squeeze %dma_wait3A_409 : memref<1x!tpu.dma_semaphore, #tpu.memory_space<semaphore_mem>> -> memref<!tpu.dma_semaphore, #tpu.memory_space<semaphore_mem>>
          %dma_wait3A_411 = arith.constant 0 : i32
          %dma_wait3A_412 = tpu.memref_slice %arg4[%mul3A_2, %dma_wait3A_411] : memref<204800x128xf32, #tpu.memory_space<hbm>> -> memref<128x128xf32, #tpu.memory_space<hbm>>
          %dma_wait3A_413 = arith.constant 0 : i32
          %dma_wait3A_414 = arith.constant 0 : i32
          %dma_wait3A_415 = tpu.memref_slice %arg6[%dma_wait3A_401, %dma_wait3A_413, %dma_wait3A_414] : memref<5x128x128xf32, #tpu.memory_space<vmem>> -> memref<1x128x128xf32, #tpu.memory_space<vmem>>
          %dma_wait3A_416 = tpu.memref_squeeze %dma_wait3A_415 : memref<1x128x128xf32, #tpu.memory_space<vmem>> -> memref<128x128xf32, #tpu.memory_space<vmem>>
          tpu.wait_dma2 semaphore(%dma_wait3A_410 : memref<!tpu.dma_semaphore, #tpu.memory_space<semaphore_mem>>) src(%dma_wait3A_416 : memref<128x128xf32, #tpu.memory_space<vmem>>) dst(%dma_wait3A_412 : memref<128x128xf32, #tpu.memory_space<hbm>>)
        } else {
        }
        %dma_start3A_387 = arith.constant 0 : i32
        %dma_start3A_388 = arith.constant 0 : i32
        %dma_start3A_389 = arith.constant 0 : i32
        %dma_start3A_390 = arith.constant 0 : i32
        %dma_start3A_391 = tpu.memref_slice %arg6[%dma_start3A_387, %dma_start3A_389, %dma_start3A_390] : memref<5x128x128xf32, #tpu.memory_space<vmem>> -> memref<1x128x128xf32, #tpu.memory_space<vmem>>
        %dma_start3A_392 = tpu.memref_squeeze %dma_start3A_391 : memref<1x128x128xf32, #tpu.memory_space<vmem>> -> memref<128x128xf32, #tpu.memory_space<vmem>>
        %dma_start3A_393 = arith.constant 0 : i32
        %dma_start3A_394 = tpu.memref_slice %arg5[%add3A_196, %dma_start3A_393] : memref<50x128xi32, #tpu.memory_space<vmem>> -> memref<1x128xi32, #tpu.memory_space<vmem>>
        %dma_start3A_395 = tpu.memref_squeeze %dma_start3A_394 : memref<1x128xi32, #tpu.memory_space<vmem>> -> memref<128xi32, #tpu.memory_space<vmem>>
        %dma_start3A_396 = arith.constant 0 : i32
        %dma_start3A_397 = arith.constant 0 : i32
        %dma_start3A_398 = tpu.memref_slice %arg3[%dma_start3A_396, %dma_start3A_397] : memref<100000x128xf32, #tpu.memory_space<hbm>> -> memref<100000x128xf32, #tpu.memory_space<hbm>>
        %dma_start3A_399 = tpu.memref_slice %arg7[%dma_start3A_388] : memref<5x!tpu.dma_semaphore, #tpu.memory_space<semaphore_mem>> -> memref<1x!tpu.dma_semaphore, #tpu.memory_space<semaphore_mem>>
        %dma_start3A_400 = tpu.memref_squeeze %dma_start3A_399 : memref<1x!tpu.dma_semaphore, #tpu.memory_space<semaphore_mem>> -> memref<!tpu.dma_semaphore, #tpu.memory_space<semaphore_mem>>
        tpu.enqueue_indirect_dma source(%dma_start3A_398 : memref<100000x128xf32, #tpu.memory_space<hbm>>) target(%dma_start3A_392 : memref<128x128xf32, #tpu.memory_space<vmem>>) offsets(%dma_start3A_395 : memref<128xi32, #tpu.memory_space<vmem>>) semaphore(%dma_start3A_400 : memref<!tpu.dma_semaphore, #tpu.memory_space<semaphore_mem>>)
      } else {
      }
      %dma_wait3A_202 = arith.constant 0 : i32
      %dma_wait3A_203 = arith.constant 1 : i32
      %dma_wait3A_204 = arith.constant 1 : i32
      %dma_wait3A_205 = arith.constant 0 : i32
      %dma_wait3A_206 = arith.constant 0 : i32
      %dma_wait3A_207 = tpu.memref_slice %arg6[%dma_wait3A_203, %dma_wait3A_205, %dma_wait3A_206] : memref<5x128x128xf32, #tpu.memory_space<vmem>> -> memref<1x128x128xf32, #tpu.memory_space<vmem>>
      %dma_wait3A_208 = tpu.memref_squeeze %dma_wait3A_207 : memref<1x128x128xf32, #tpu.memory_space<vmem>> -> memref<128x128xf32, #tpu.memory_space<vmem>>
      %dma_wait3A_209 = arith.constant 0 : i32
      %dma_wait3A_210 = tpu.memref_slice %arg5[%dma_wait3A_202, %dma_wait3A_209] : memref<50x128xi32, #tpu.memory_space<vmem>> -> memref<1x128xi32, #tpu.memory_space<vmem>>
      %dma_wait3A_211 = tpu.memref_squeeze %dma_wait3A_210 : memref<1x128xi32, #tpu.memory_space<vmem>> -> memref<128xi32, #tpu.memory_space<vmem>>
      %dma_wait3A_212 = arith.constant 0 : i32
      %dma_wait3A_213 = arith.constant 0 : i32
      %dma_wait3A_214 = tpu.memref_slice %arg3[%dma_wait3A_212, %dma_wait3A_213] : memref<100000x128xf32, #tpu.memory_space<hbm>> -> memref<100000x128xf32, #tpu.memory_space<hbm>>
      %dma_wait3A_215 = tpu.memref_slice %arg7[%dma_wait3A_204] : memref<5x!tpu.dma_semaphore, #tpu.memory_space<semaphore_mem>> -> memref<1x!tpu.dma_semaphore, #tpu.memory_space<semaphore_mem>>
      %dma_wait3A_216 = tpu.memref_squeeze %dma_wait3A_215 : memref<1x!tpu.dma_semaphore, #tpu.memory_space<semaphore_mem>> -> memref<!tpu.dma_semaphore, #tpu.memory_space<semaphore_mem>>
      tpu.wait_indirect_dma semaphore(%dma_wait3A_216 : memref<!tpu.dma_semaphore, #tpu.memory_space<semaphore_mem>>) src(%dma_wait3A_214 : memref<100000x128xf32, #tpu.memory_space<hbm>>) dst(%dma_wait3A_208 : memref<128x128xf32, #tpu.memory_space<vmem>>)
      %parallel_loop3A_217 = arith.constant 0 : i32
      %parallel_loop3A_218 = arith.constant 128 : i32
      %parallel_loop3A_219 = arith.constant 1 : i32
      scf.for %parallel_loop3A_383 = %parallel_loop3A_217 to %parallel_loop3A_218 step %parallel_loop3A_219  : i32 {
        %parallel_loop3A_384 = arith.constant 1 : i32
        %parallel_loop3A_385 = arith.index_cast %parallel_loop3A_384 : i32 to index
        %parallel_loop3A_386 = arith.index_cast %parallel_loop3A_383 : i32 to index
        %parallel_loop3A_387 = arith.constant 0 : index
        %parallel_loop3A_388 = tpu.vector_load %arg6[%parallel_loop3A_385, %parallel_loop3A_386, %parallel_loop3A_387] {strides = array<i32>} : memref<5x128x128xf32, #tpu.memory_space<vmem>>, vector<1x1x16xf32>,
        %parallel_loop3A_389 = vector.shape_cast %parallel_loop3A_388 : vector<1x1x16xf32> to vector<16xf32>
        %parallel_loop3A_390 = arith.constant 11.3137083 : f32
        %parallel_loop3A_391 = vector.broadcast %parallel_loop3A_390 : f32 to vector<16xf32>
        %parallel_loop3A_392 = arith.mulf %parallel_loop3A_389, %parallel_loop3A_391 : vector<16xf32>
        %parallel_loop3A_393 = arith.constant 1 : i32
        %parallel_loop3A_394 = arith.index_cast %parallel_loop3A_393 : i32 to index
        %parallel_loop3A_395 = arith.index_cast %parallel_loop3A_383 : i32 to index
        %parallel_loop3A_396 = arith.constant 0 : index
        %parallel_loop3A_397 = tpu.vector_load %arg6[%parallel_loop3A_394, %parallel_loop3A_395, %parallel_loop3A_396] {strides = array<i32>} : memref<5x128x128xf32, #tpu.memory_space<vmem>>, vector<1x1x16xf32>,
        %parallel_loop3A_398 = vector.shape_cast %parallel_loop3A_397 : vector<1x1x16xf32> to vector<16xf32>
        %parallel_loop3A_399 = vector.shape_cast %parallel_loop3A_392 : vector<16xf32> to vector<1x1x16xf32>
        tpu.vector_store %arg6[%parallel_loop3A_394, %parallel_loop3A_395, %parallel_loop3A_396], %parallel_loop3A_399 {strides = array<i32>} : memref<5x128x128xf32, #tpu.memory_space<vmem>>, vector<1x1x16xf32>,
        %parallel_loop3A_400 = arith.constant 1 : i32
        %parallel_loop3A_401 = arith.index_cast %parallel_loop3A_400 : i32 to index
        %parallel_loop3A_402 = arith.index_cast %parallel_loop3A_383 : i32 to index
        %parallel_loop3A_403 = arith.constant 16 : index
        %parallel_loop3A_404 = tpu.vector_load %arg6[%parallel_loop3A_401, %parallel_loop3A_402, %parallel_loop3A_403] {strides = array<i32>} : memref<5x128x128xf32, #tpu.memory_space<vmem>>, vector<1x1x16xf32>,
        %parallel_loop3A_405 = vector.shape_cast %parallel_loop3A_404 : vector<1x1x16xf32> to vector<16xf32>
        %parallel_loop3A_406 = arith.constant 11.3137083 : f32
        %parallel_loop3A_407 = vector.broadcast %parallel_loop3A_406 : f32 to vector<16xf32>
        %parallel_loop3A_408 = arith.mulf %parallel_loop3A_405, %parallel_loop3A_407 : vector<16xf32>
        %parallel_loop3A_409 = arith.constant 1 : i32
        %parallel_loop3A_410 = arith.index_cast %parallel_loop3A_409 : i32 to index
        %parallel_loop3A_411 = arith.index_cast %parallel_loop3A_383 : i32 to index
        %parallel_loop3A_412 = arith.constant 16 : index
        %parallel_loop3A_413 = tpu.vector_load %arg6[%parallel_loop3A_410, %parallel_loop3A_411, %parallel_loop3A_412] {strides = array<i32>} : memref<5x128x128xf32, #tpu.memory_space<vmem>>, vector<1x1x16xf32>,
        %parallel_loop3A_414 = vector.shape_cast %parallel_loop3A_413 : vector<1x1x16xf32> to vector<16xf32>
        %parallel_loop3A_415 = vector.shape_cast %parallel_loop3A_408 : vector<16xf32> to vector<1x1x16xf32>
        tpu.vector_store %arg6[%parallel_loop3A_410, %parallel_loop3A_411, %parallel_loop3A_412], %parallel_loop3A_415 {strides = array<i32>} : memref<5x128x128xf32, #tpu.memory_space<vmem>>, vector<1x1x16xf32>,
        %parallel_loop3A_416 = arith.constant 1 : i32
        %parallel_loop3A_417 = arith.index_cast %parallel_loop3A_416 : i32 to index
        %parallel_loop3A_418 = arith.index_cast %parallel_loop3A_383 : i32 to index
        %parallel_loop3A_419 = arith.constant 32 : index
        %parallel_loop3A_420 = tpu.vector_load %arg6[%parallel_loop3A_417, %parallel_loop3A_418, %parallel_loop3A_419] {strides = array<i32>} : memref<5x128x128xf32, #tpu.memory_space<vmem>>, vector<1x1x16xf32>,
        %parallel_loop3A_421 = vector.shape_cast %parallel_loop3A_420 : vector<1x1x16xf32> to vector<16xf32>
        %parallel_loop3A_422 = arith.constant 11.3137083 : f32
        %parallel_loop3A_423 = vector.broadcast %parallel_loop3A_422 : f32 to vector<16xf32>
        %parallel_loop3A_424 = arith.mulf %parallel_loop3A_421, %parallel_loop3A_423 : vector<16xf32>
        %parallel_loop3A_425 = arith.constant 1 : i32
        %parallel_loop3A_426 = arith.index_cast %parallel_loop3A_425 : i32 to index
        %parallel_loop3A_427 = arith.index_cast %parallel_loop3A_383 : i32 to index
        %parallel_loop3A_428 = arith.constant 32 : index
        %parallel_loop3A_429 = tpu.vector_load %arg6[%parallel_loop3A_426, %parallel_loop3A_427, %parallel_loop3A_428] {strides = array<i32>} : memref<5x128x128xf32, #tpu.memory_space<vmem>>, vector<1x1x16xf32>,
        %parallel_loop3A_430 = vector.shape_cast %parallel_loop3A_429 : vector<1x1x16xf32> to vector<16xf32>
        %parallel_loop3A_431 = vector.shape_cast %parallel_loop3A_424 : vector<16xf32> to vector<1x1x16xf32>
        tpu.vector_store %arg6[%parallel_loop3A_426, %parallel_loop3A_427, %parallel_loop3A_428], %parallel_loop3A_431 {strides = array<i32>} : memref<5x128x128xf32, #tpu.memory_space<vmem>>, vector<1x1x16xf32>,
        %parallel_loop3A_432 = arith.constant 1 : i32
        %parallel_loop3A_433 = arith.index_cast %parallel_loop3A_432 : i32 to index
        %parallel_loop3A_434 = arith.index_cast %parallel_loop3A_383 : i32 to index
        %parallel_loop3A_435 = arith.constant 48 : index
        %parallel_loop3A_436 = tpu.vector_load %arg6[%parallel_loop3A_433, %parallel_loop3A_434, %parallel_loop3A_435] {strides = array<i32>} : memref<5x128x128xf32, #tpu.memory_space<vmem>>, vector<1x1x16xf32>,
        %parallel_loop3A_437 = vector.shape_cast %parallel_loop3A_436 : vector<1x1x16xf32> to vector<16xf32>
        %parallel_loop3A_438 = arith.constant 11.3137083 : f32
        %parallel_loop3A_439 = vector.broadcast %parallel_loop3A_438 : f32 to vector<16xf32>
        %parallel_loop3A_440 = arith.mulf %parallel_loop3A_437, %parallel_loop3A_439 : vector<16xf32>
        %parallel_loop3A_441 = arith.constant 1 : i32
        %parallel_loop3A_442 = arith.index_cast %parallel_loop3A_441 : i32 to index
        %parallel_loop3A_443 = arith.index_cast %parallel_loop3A_383 : i32 to index
        %parallel_loop3A_444 = arith.constant 48 : index
        %parallel_loop3A_445 = tpu.vector_load %arg6[%parallel_loop3A_442, %parallel_loop3A_443, %parallel_loop3A_444] {strides = array<i32>} : memref<5x128x128xf32, #tpu.memory_space<vmem>>, vector<1x1x16xf32>,
        %parallel_loop3A_446 = vector.shape_cast %parallel_loop3A_445 : vector<1x1x16xf32> to vector<16xf32>
        %parallel_loop3A_447 = vector.shape_cast %parallel_loop3A_440 : vector<16xf32> to vector<1x1x16xf32>
        tpu.vector_store %arg6[%parallel_loop3A_442, %parallel_loop3A_443, %parallel_loop3A_444], %parallel_loop3A_447 {strides = array<i32>} : memref<5x128x128xf32, #tpu.memory_space<vmem>>, vector<1x1x16xf32>,
        %parallel_loop3A_448 = arith.constant 1 : i32
        %parallel_loop3A_449 = arith.index_cast %parallel_loop3A_448 : i32 to index
        %parallel_loop3A_450 = arith.index_cast %parallel_loop3A_383 : i32 to index
        %parallel_loop3A_451 = arith.constant 64 : index
        %parallel_loop3A_452 = tpu.vector_load %arg6[%parallel_loop3A_449, %parallel_loop3A_450, %parallel_loop3A_451] {strides = array<i32>} : memref<5x128x128xf32, #tpu.memory_space<vmem>>, vector<1x1x16xf32>,
        %parallel_loop3A_453 = vector.shape_cast %parallel_loop3A_452 : vector<1x1x16xf32> to vector<16xf32>
        %parallel_loop3A_454 = arith.constant 11.3137083 : f32
        %parallel_loop3A_455 = vector.broadcast %parallel_loop3A_454 : f32 to vector<16xf32>
        %parallel_loop3A_456 = arith.mulf %parallel_loop3A_453, %parallel_loop3A_455 : vector<16xf32>
        %parallel_loop3A_457 = arith.constant 1 : i32
        %parallel_loop3A_458 = arith.index_cast %parallel_loop3A_457 : i32 to index
        %parallel_loop3A_459 = arith.index_cast %parallel_loop3A_383 : i32 to index
        %parallel_loop3A_460 = arith.constant 64 : index
        %parallel_loop3A_461 = tpu.vector_load %arg6[%parallel_loop3A_458, %parallel_loop3A_459, %parallel_loop3A_460] {strides = array<i32>} : memref<5x128x128xf32, #tpu.memory_space<vmem>>, vector<1x1x16xf32>,
        %parallel_loop3A_462 = vector.shape_cast %parallel_loop3A_461 : vector<1x1x16xf32> to vector<16xf32>
        %parallel_loop3A_463 = vector.shape_cast %parallel_loop3A_456 : vector<16xf32> to vector<1x1x16xf32>
        tpu.vector_store %arg6[%parallel_loop3A_458, %parallel_loop3A_459, %parallel_loop3A_460], %parallel_loop3A_463 {strides = array<i32>} : memref<5x128x128xf32, #tpu.memory_space<vmem>>, vector<1x1x16xf32>,
        %parallel_loop3A_464 = arith.constant 1 : i32
        %parallel_loop3A_465 = arith.index_cast %parallel_loop3A_464 : i32 to index
        %parallel_loop3A_466 = arith.index_cast %parallel_loop3A_383 : i32 to index
        %parallel_loop3A_467 = arith.constant 80 : index
        %parallel_loop3A_468 = tpu.vector_load %arg6[%parallel_loop3A_465, %parallel_loop3A_466, %parallel_loop3A_467] {strides = array<i32>} : memref<5x128x128xf32, #tpu.memory_space<vmem>>, vector<1x1x16xf32>,
        %parallel_loop3A_469 = vector.shape_cast %parallel_loop3A_468 : vector<1x1x16xf32> to vector<16xf32>
        %parallel_loop3A_470 = arith.constant 11.3137083 : f32
        %parallel_loop3A_471 = vector.broadcast %parallel_loop3A_470 : f32 to vector<16xf32>
        %parallel_loop3A_472 = arith.mulf %parallel_loop3A_469, %parallel_loop3A_471 : vector<16xf32>
        %parallel_loop3A_473 = arith.constant 1 : i32
        %parallel_loop3A_474 = arith.index_cast %parallel_loop3A_473 : i32 to index
        %parallel_loop3A_475 = arith.index_cast %parallel_loop3A_383 : i32 to index
        %parallel_loop3A_476 = arith.constant 80 : index
        %parallel_loop3A_477 = tpu.vector_load %arg6[%parallel_loop3A_474, %parallel_loop3A_475, %parallel_loop3A_476] {strides = array<i32>} : memref<5x128x128xf32, #tpu.memory_space<vmem>>, vector<1x1x16xf32>,
        %parallel_loop3A_478 = vector.shape_cast %parallel_loop3A_477 : vector<1x1x16xf32> to vector<16xf32>
        %parallel_loop3A_479 = vector.shape_cast %parallel_loop3A_472 : vector<16xf32> to vector<1x1x16xf32>
        tpu.vector_store %arg6[%parallel_loop3A_474, %parallel_loop3A_475, %parallel_loop3A_476], %parallel_loop3A_479 {strides = array<i32>} : memref<5x128x128xf32, #tpu.memory_space<vmem>>, vector<1x1x16xf32>,
        %parallel_loop3A_480 = arith.constant 1 : i32
        %parallel_loop3A_481 = arith.index_cast %parallel_loop3A_480 : i32 to index
        %parallel_loop3A_482 = arith.index_cast %parallel_loop3A_383 : i32 to index
        %parallel_loop3A_483 = arith.constant 96 : index
        %parallel_loop3A_484 = tpu.vector_load %arg6[%parallel_loop3A_481, %parallel_loop3A_482, %parallel_loop3A_483] {strides = array<i32>} : memref<5x128x128xf32, #tpu.memory_space<vmem>>, vector<1x1x16xf32>,
        %parallel_loop3A_485 = vector.shape_cast %parallel_loop3A_484 : vector<1x1x16xf32> to vector<16xf32>
        %parallel_loop3A_486 = arith.constant 11.3137083 : f32
        %parallel_loop3A_487 = vector.broadcast %parallel_loop3A_486 : f32 to vector<16xf32>
        %parallel_loop3A_488 = arith.mulf %parallel_loop3A_485, %parallel_loop3A_487 : vector<16xf32>
        %parallel_loop3A_489 = arith.constant 1 : i32
        %parallel_loop3A_490 = arith.index_cast %parallel_loop3A_489 : i32 to index
        %parallel_loop3A_491 = arith.index_cast %parallel_loop3A_383 : i32 to index
        %parallel_loop3A_492 = arith.constant 96 : index
        %parallel_loop3A_493 = tpu.vector_load %arg6[%parallel_loop3A_490, %parallel_loop3A_491, %parallel_loop3A_492] {strides = array<i32>} : memref<5x128x128xf32, #tpu.memory_space<vmem>>, vector<1x1x16xf32>,
        %parallel_loop3A_494 = vector.shape_cast %parallel_loop3A_493 : vector<1x1x16xf32> to vector<16xf32>
        %parallel_loop3A_495 = vector.shape_cast %parallel_loop3A_488 : vector<16xf32> to vector<1x1x16xf32>
        tpu.vector_store %arg6[%parallel_loop3A_490, %parallel_loop3A_491, %parallel_loop3A_492], %parallel_loop3A_495 {strides = array<i32>} : memref<5x128x128xf32, #tpu.memory_space<vmem>>, vector<1x1x16xf32>,
        %parallel_loop3A_496 = arith.constant 1 : i32
        %parallel_loop3A_497 = arith.index_cast %parallel_loop3A_496 : i32 to index
        %parallel_loop3A_498 = arith.index_cast %parallel_loop3A_383 : i32 to index
        %parallel_loop3A_499 = arith.constant 112 : index
        %parallel_loop3A_500 = tpu.vector_load %arg6[%parallel_loop3A_497, %parallel_loop3A_498, %parallel_loop3A_499] {strides = array<i32>} : memref<5x128x128xf32, #tpu.memory_space<vmem>>, vector<1x1x16xf32>,
        %parallel_loop3A_501 = vector.shape_cast %parallel_loop3A_500 : vector<1x1x16xf32> to vector<16xf32>
        %parallel_loop3A_502 = arith.constant 11.3137083 : f32
        %parallel_loop3A_503 = vector.broadcast %parallel_loop3A_502 : f32 to vector<16xf32>
        %parallel_loop3A_504 = arith.mulf %parallel_loop3A_501, %parallel_loop3A_503 : vector<16xf32>
        %parallel_loop3A_505 = arith.constant 1 : i32
        %parallel_loop3A_506 = arith.index_cast %parallel_loop3A_505 : i32 to index
        %parallel_loop3A_507 = arith.index_cast %parallel_loop3A_383 : i32 to index
        %parallel_loop3A_508 = arith.constant 112 : index
        %parallel_loop3A_509 = tpu.vector_load %arg6[%parallel_loop3A_506, %parallel_loop3A_507, %parallel_loop3A_508] {strides = array<i32>} : memref<5x128x128xf32, #tpu.memory_space<vmem>>, vector<1x1x16xf32>,
        %parallel_loop3A_510 = vector.shape_cast %parallel_loop3A_509 : vector<1x1x16xf32> to vector<16xf32>
        %parallel_loop3A_511 = vector.shape_cast %parallel_loop3A_504 : vector<16xf32> to vector<1x1x16xf32>
        tpu.vector_store %arg6[%parallel_loop3A_506, %parallel_loop3A_507, %parallel_loop3A_508], %parallel_loop3A_511 {strides = array<i32>} : memref<5x128x128xf32, #tpu.memory_space<vmem>>, vector<1x1x16xf32>,
      } {sc.loop_unroll_factor = 4 : i64, sc.parallel_access}
      %mul3A_220 = arith.constant 4096 : i32
      %mul3A_221 = arith.muli %add3A_194, %mul3A_220 : i32
      %add3A_222 = arith.addi %mul3A_221, %mul3A_2 : i32
      %dma_start3A_223 = arith.constant 1 : i32
      %dma_start3A_224 = arith.constant 1 : i32
      %dma_start3A_225 = arith.constant 0 : i32
      %dma_start3A_226 = arith.constant 0 : i32
      %dma_start3A_227 = tpu.memref_slice %arg6[%dma_start3A_223, %dma_start3A_225, %dma_start3A_226] : memref<5x128x128xf32, #tpu.memory_space<vmem>> -> memref<1x128x128xf32, #tpu.memory_space<vmem>>
      %dma_start3A_228 = tpu.memref_squeeze %dma_start3A_227 : memref<1x128x128xf32, #tpu.memory_space<vmem>> -> memref<128x128xf32, #tpu.memory_space<vmem>>
      %dma_start3A_229 = arith.constant 0 : i32
      %dma_start3A_230 = tpu.memref_slice %arg4[%add3A_222, %dma_start3A_229] : memref<204800x128xf32, #tpu.memory_space<hbm>> -> memref<128x128xf32, #tpu.memory_space<hbm>>
      %dma_start3A_231 = tpu.memref_slice %arg8[%dma_start3A_224] : memref<5x!tpu.dma_semaphore, #tpu.memory_space<semaphore_mem>> -> memref<1x!tpu.dma_semaphore, #tpu.memory_space<semaphore_mem>>
      %dma_start3A_232 = tpu.memref_squeeze %dma_start3A_231 : memref<1x!tpu.dma_semaphore, #tpu.memory_space<semaphore_mem>> -> memref<!tpu.dma_semaphore, #tpu.memory_space<semaphore_mem>>
      %dma_start3A_233 = arith.constant 0 : i32
      %dma_start3A_234 = tpu.memref_slice %arg4[%add3A_222, %dma_start3A_233] : memref<204800x128xf32, #tpu.memory_space<hbm>> -> memref<128x128xf32, #tpu.memory_space<hbm>>
      %dma_start3A_235 = arith.constant 0 : i32
      %dma_start3A_236 = arith.constant 0 : i32
      %dma_start3A_237 = tpu.memref_slice %arg6[%dma_start3A_223, %dma_start3A_235, %dma_start3A_236] : memref<5x128x128xf32, #tpu.memory_space<vmem>> -> memref<1x128x128xf32, #tpu.memory_space<vmem>>
      %dma_start3A_238 = tpu.memref_squeeze %dma_start3A_237 : memref<1x128x128xf32, #tpu.memory_space<vmem>> -> memref<128x128xf32, #tpu.memory_space<vmem>>
      tpu.enqueue_dma source(%dma_start3A_238 : memref<128x128xf32, #tpu.memory_space<vmem>>) target(%dma_start3A_234 : memref<128x128xf32, #tpu.memory_space<hbm>>) target_semaphore(%dma_start3A_232 : memref<!tpu.dma_semaphore, #tpu.memory_space<semaphore_mem>>)
      %mul3A_239 = arith.constant 5 : i32
      %mul3A_240 = arith.muli %scan3A_146, %mul3A_239 : i32
      %add3A_241 = arith.constant 2 : i32
      %add3A_242 = arith.addi %mul3A_240, %add3A_241 : i32
      %add3A_243 = arith.constant 4 : i32
      %add3A_244 = arith.addi %add3A_242, %add3A_243 : i32
      %lt3A_245 = arith.constant 50 : i32
      %lt3A_246 = arith.cmpi slt, %add3A_244, %lt3A_245 : i32
      %convert_element_type3A_247 = arith.extui %lt3A_246 : i1 to i32
      %cond3A_248 = arith.constant 0 : i32
      %cond3A_249 = arith.cmpi ne, %convert_element_type3A_247, %cond3A_248 : i32
      scf.if %cond3A_249 {
        %ge3A = arith.constant 5 : i32
        %ge3A_383 = arith.cmpi sge, %add3A_244, %ge3A : i32
        %convert_element_type3A_384 = arith.extui %ge3A_383 : i1 to i32
        %cond3A_385 = arith.constant 0 : i32
        %cond3A_386 = arith.cmpi ne, %convert_element_type3A_384, %cond3A_385 : i32
        scf.if %cond3A_386 {
          %dma_wait3A_401 = arith.constant 1 : i32
          %dma_wait3A_402 = arith.constant 1 : i32
          %dma_wait3A_403 = arith.constant 0 : i32
          %dma_wait3A_404 = arith.constant 0 : i32
          %dma_wait3A_405 = tpu.memref_slice %arg6[%dma_wait3A_401, %dma_wait3A_403, %dma_wait3A_404] : memref<5x128x128xf32, #tpu.memory_space<vmem>> -> memref<1x128x128xf32, #tpu.memory_space<vmem>>
          %dma_wait3A_406 = tpu.memref_squeeze %dma_wait3A_405 : memref<1x128x128xf32, #tpu.memory_space<vmem>> -> memref<128x128xf32, #tpu.memory_space<vmem>>
          %dma_wait3A_407 = arith.constant 0 : i32
          %dma_wait3A_408 = tpu.memref_slice %arg4[%mul3A_2, %dma_wait3A_407] : memref<204800x128xf32, #tpu.memory_space<hbm>> -> memref<128x128xf32, #tpu.memory_space<hbm>>
          %dma_wait3A_409 = tpu.memref_slice %arg8[%dma_wait3A_402] : memref<5x!tpu.dma_semaphore, #tpu.memory_space<semaphore_mem>> -> memref<1x!tpu.dma_semaphore, #tpu.memory_space<semaphore_mem>>
          %dma_wait3A_410 = tpu.memref_squeeze %dma_wait3A_409 : memref<1x!tpu.dma_semaphore, #tpu.memory_space<semaphore_mem>> -> memref<!tpu.dma_semaphore, #tpu.memory_space<semaphore_mem>>
          %dma_wait3A_411 = arith.constant 0 : i32
          %dma_wait3A_412 = tpu.memref_slice %arg4[%mul3A_2, %dma_wait3A_411] : memref<204800x128xf32, #tpu.memory_space<hbm>> -> memref<128x128xf32, #tpu.memory_space<hbm>>
          %dma_wait3A_413 = arith.constant 0 : i32
          %dma_wait3A_414 = arith.constant 0 : i32
          %dma_wait3A_415 = tpu.memref_slice %arg6[%dma_wait3A_401, %dma_wait3A_413, %dma_wait3A_414] : memref<5x128x128xf32, #tpu.memory_space<vmem>> -> memref<1x128x128xf32, #tpu.memory_space<vmem>>
          %dma_wait3A_416 = tpu.memref_squeeze %dma_wait3A_415 : memref<1x128x128xf32, #tpu.memory_space<vmem>> -> memref<128x128xf32, #tpu.memory_space<vmem>>
          tpu.wait_dma2 semaphore(%dma_wait3A_410 : memref<!tpu.dma_semaphore, #tpu.memory_space<semaphore_mem>>) src(%dma_wait3A_416 : memref<128x128xf32, #tpu.memory_space<vmem>>) dst(%dma_wait3A_412 : memref<128x128xf32, #tpu.memory_space<hbm>>)
        } else {
        }
        %dma_start3A_387 = arith.constant 1 : i32
        %dma_start3A_388 = arith.constant 1 : i32
        %dma_start3A_389 = arith.constant 0 : i32
        %dma_start3A_390 = arith.constant 0 : i32
        %dma_start3A_391 = tpu.memref_slice %arg6[%dma_start3A_387, %dma_start3A_389, %dma_start3A_390] : memref<5x128x128xf32, #tpu.memory_space<vmem>> -> memref<1x128x128xf32, #tpu.memory_space<vmem>>
        %dma_start3A_392 = tpu.memref_squeeze %dma_start3A_391 : memref<1x128x128xf32, #tpu.memory_space<vmem>> -> memref<128x128xf32, #tpu.memory_space<vmem>>
        %dma_start3A_393 = arith.constant 0 : i32
        %dma_start3A_394 = tpu.memref_slice %arg5[%add3A_244, %dma_start3A_393] : memref<50x128xi32, #tpu.memory_space<vmem>> -> memref<1x128xi32, #tpu.memory_space<vmem>>
        %dma_start3A_395 = tpu.memref_squeeze %dma_start3A_394 : memref<1x128xi32, #tpu.memory_space<vmem>> -> memref<128xi32, #tpu.memory_space<vmem>>
        %dma_start3A_396 = arith.constant 0 : i32
        %dma_start3A_397 = arith.constant 0 : i32
        %dma_start3A_398 = tpu.memref_slice %arg3[%dma_start3A_396, %dma_start3A_397] : memref<100000x128xf32, #tpu.memory_space<hbm>> -> memref<100000x128xf32, #tpu.memory_space<hbm>>
        %dma_start3A_399 = tpu.memref_slice %arg7[%dma_start3A_388] : memref<5x!tpu.dma_semaphore, #tpu.memory_space<semaphore_mem>> -> memref<1x!tpu.dma_semaphore, #tpu.memory_space<semaphore_mem>>
        %dma_start3A_400 = tpu.memref_squeeze %dma_start3A_399 : memref<1x!tpu.dma_semaphore, #tpu.memory_space<semaphore_mem>> -> memref<!tpu.dma_semaphore, #tpu.memory_space<semaphore_mem>>
        tpu.enqueue_indirect_dma source(%dma_start3A_398 : memref<100000x128xf32, #tpu.memory_space<hbm>>) target(%dma_start3A_392 : memref<128x128xf32, #tpu.memory_space<vmem>>) offsets(%dma_start3A_395 : memref<128xi32, #tpu.memory_space<vmem>>) semaphore(%dma_start3A_400 : memref<!tpu.dma_semaphore, #tpu.memory_space<semaphore_mem>>)
      } else {
      }
      %dma_wait3A_250 = arith.constant 0 : i32
      %dma_wait3A_251 = arith.constant 2 : i32
      %dma_wait3A_252 = arith.constant 2 : i32
      %dma_wait3A_253 = arith.constant 0 : i32
      %dma_wait3A_254 = arith.constant 0 : i32
      %dma_wait3A_255 = tpu.memref_slice %arg6[%dma_wait3A_251, %dma_wait3A_253, %dma_wait3A_254] : memref<5x128x128xf32, #tpu.memory_space<vmem>> -> memref<1x128x128xf32, #tpu.memory_space<vmem>>
      %dma_wait3A_256 = tpu.memref_squeeze %dma_wait3A_255 : memref<1x128x128xf32, #tpu.memory_space<vmem>> -> memref<128x128xf32, #tpu.memory_space<vmem>>
      %dma_wait3A_257 = arith.constant 0 : i32
      %dma_wait3A_258 = tpu.memref_slice %arg5[%dma_wait3A_250, %dma_wait3A_257] : memref<50x128xi32, #tpu.memory_space<vmem>> -> memref<1x128xi32, #tpu.memory_space<vmem>>
      %dma_wait3A_259 = tpu.memref_squeeze %dma_wait3A_258 : memref<1x128xi32, #tpu.memory_space<vmem>> -> memref<128xi32, #tpu.memory_space<vmem>>
      %dma_wait3A_260 = arith.constant 0 : i32
      %dma_wait3A_261 = arith.constant 0 : i32
      %dma_wait3A_262 = tpu.memref_slice %arg3[%dma_wait3A_260, %dma_wait3A_261] : memref<100000x128xf32, #tpu.memory_space<hbm>> -> memref<100000x128xf32, #tpu.memory_space<hbm>>
      %dma_wait3A_263 = tpu.memref_slice %arg7[%dma_wait3A_252] : memref<5x!tpu.dma_semaphore, #tpu.memory_space<semaphore_mem>> -> memref<1x!tpu.dma_semaphore, #tpu.memory_space<semaphore_mem>>
      %dma_wait3A_264 = tpu.memref_squeeze %dma_wait3A_263 : memref<1x!tpu.dma_semaphore, #tpu.memory_space<semaphore_mem>> -> memref<!tpu.dma_semaphore, #tpu.memory_space<semaphore_mem>>
      tpu.wait_indirect_dma semaphore(%dma_wait3A_264 : memref<!tpu.dma_semaphore, #tpu.memory_space<semaphore_mem>>) src(%dma_wait3A_262 : memref<100000x128xf32, #tpu.memory_space<hbm>>) dst(%dma_wait3A_256 : memref<128x128xf32, #tpu.memory_space<vmem>>)
      %parallel_loop3A_265 = arith.constant 0 : i32
      %parallel_loop3A_266 = arith.constant 128 : i32
      %parallel_loop3A_267 = arith.constant 1 : i32
      scf.for %parallel_loop3A_383 = %parallel_loop3A_265 to %parallel_loop3A_266 step %parallel_loop3A_267  : i32 {
        %parallel_loop3A_384 = arith.constant 2 : i32
        %parallel_loop3A_385 = arith.index_cast %parallel_loop3A_384 : i32 to index
        %parallel_loop3A_386 = arith.index_cast %parallel_loop3A_383 : i32 to index
        %parallel_loop3A_387 = arith.constant 0 : index
        %parallel_loop3A_388 = tpu.vector_load %arg6[%parallel_loop3A_385, %parallel_loop3A_386, %parallel_loop3A_387] {strides = array<i32>} : memref<5x128x128xf32, #tpu.memory_space<vmem>>, vector<1x1x16xf32>,
        %parallel_loop3A_389 = vector.shape_cast %parallel_loop3A_388 : vector<1x1x16xf32> to vector<16xf32>
        %parallel_loop3A_390 = arith.constant 11.3137083 : f32
        %parallel_loop3A_391 = vector.broadcast %parallel_loop3A_390 : f32 to vector<16xf32>
        %parallel_loop3A_392 = arith.mulf %parallel_loop3A_389, %parallel_loop3A_391 : vector<16xf32>
        %parallel_loop3A_393 = arith.constant 2 : i32
        %parallel_loop3A_394 = arith.index_cast %parallel_loop3A_393 : i32 to index
        %parallel_loop3A_395 = arith.index_cast %parallel_loop3A_383 : i32 to index
        %parallel_loop3A_396 = arith.constant 0 : index
        %parallel_loop3A_397 = tpu.vector_load %arg6[%parallel_loop3A_394, %parallel_loop3A_395, %parallel_loop3A_396] {strides = array<i32>} : memref<5x128x128xf32, #tpu.memory_space<vmem>>, vector<1x1x16xf32>,
        %parallel_loop3A_398 = vector.shape_cast %parallel_loop3A_397 : vector<1x1x16xf32> to vector<16xf32>
        %parallel_loop3A_399 = vector.shape_cast %parallel_loop3A_392 : vector<16xf32> to vector<1x1x16xf32>
        tpu.vector_store %arg6[%parallel_loop3A_394, %parallel_loop3A_395, %parallel_loop3A_396], %parallel_loop3A_399 {strides = array<i32>} : memref<5x128x128xf32, #tpu.memory_space<vmem>>, vector<1x1x16xf32>,
        %parallel_loop3A_400 = arith.constant 2 : i32
        %parallel_loop3A_401 = arith.index_cast %parallel_loop3A_400 : i32 to index
        %parallel_loop3A_402 = arith.index_cast %parallel_loop3A_383 : i32 to index
        %parallel_loop3A_403 = arith.constant 16 : index
        %parallel_loop3A_404 = tpu.vector_load %arg6[%parallel_loop3A_401, %parallel_loop3A_402, %parallel_loop3A_403] {strides = array<i32>} : memref<5x128x128xf32, #tpu.memory_space<vmem>>, vector<1x1x16xf32>,
        %parallel_loop3A_405 = vector.shape_cast %parallel_loop3A_404 : vector<1x1x16xf32> to vector<16xf32>
        %parallel_loop3A_406 = arith.constant 11.3137083 : f32
        %parallel_loop3A_407 = vector.broadcast %parallel_loop3A_406 : f32 to vector<16xf32>
        %parallel_loop3A_408 = arith.mulf %parallel_loop3A_405, %parallel_loop3A_407 : vector<16xf32>
        %parallel_loop3A_409 = arith.constant 2 : i32
        %parallel_loop3A_410 = arith.index_cast %parallel_loop3A_409 : i32 to index
        %parallel_loop3A_411 = arith.index_cast %parallel_loop3A_383 : i32 to index
        %parallel_loop3A_412 = arith.constant 16 : index
        %parallel_loop3A_413 = tpu.vector_load %arg6[%parallel_loop3A_410, %parallel_loop3A_411, %parallel_loop3A_412] {strides = array<i32>} : memref<5x128x128xf32, #tpu.memory_space<vmem>>, vector<1x1x16xf32>,
        %parallel_loop3A_414 = vector.shape_cast %parallel_loop3A_413 : vector<1x1x16xf32> to vector<16xf32>
        %parallel_loop3A_415 = vector.shape_cast %parallel_loop3A_408 : vector<16xf32> to vector<1x1x16xf32>
        tpu.vector_store %arg6[%parallel_loop3A_410, %parallel_loop3A_411, %parallel_loop3A_412], %parallel_loop3A_415 {strides = array<i32>} : memref<5x128x128xf32, #tpu.memory_space<vmem>>, vector<1x1x16xf32>,
        %parallel_loop3A_416 = arith.constant 2 : i32
        %parallel_loop3A_417 = arith.index_cast %parallel_loop3A_416 : i32 to index
        %parallel_loop3A_418 = arith.index_cast %parallel_loop3A_383 : i32 to index
        %parallel_loop3A_419 = arith.constant 32 : index
        %parallel_loop3A_420 = tpu.vector_load %arg6[%parallel_loop3A_417, %parallel_loop3A_418, %parallel_loop3A_419] {strides = array<i32>} : memref<5x128x128xf32, #tpu.memory_space<vmem>>, vector<1x1x16xf32>,
        %parallel_loop3A_421 = vector.shape_cast %parallel_loop3A_420 : vector<1x1x16xf32> to vector<16xf32>
        %parallel_loop3A_422 = arith.constant 11.3137083 : f32
        %parallel_loop3A_423 = vector.broadcast %parallel_loop3A_422 : f32 to vector<16xf32>
        %parallel_loop3A_424 = arith.mulf %parallel_loop3A_421, %parallel_loop3A_423 : vector<16xf32>
        %parallel_loop3A_425 = arith.constant 2 : i32
        %parallel_loop3A_426 = arith.index_cast %parallel_loop3A_425 : i32 to index
        %parallel_loop3A_427 = arith.index_cast %parallel_loop3A_383 : i32 to index
        %parallel_loop3A_428 = arith.constant 32 : index
        %parallel_loop3A_429 = tpu.vector_load %arg6[%parallel_loop3A_426, %parallel_loop3A_427, %parallel_loop3A_428] {strides = array<i32>} : memref<5x128x128xf32, #tpu.memory_space<vmem>>, vector<1x1x16xf32>,
        %parallel_loop3A_430 = vector.shape_cast %parallel_loop3A_429 : vector<1x1x16xf32> to vector<16xf32>
        %parallel_loop3A_431 = vector.shape_cast %parallel_loop3A_424 : vector<16xf32> to vector<1x1x16xf32>
        tpu.vector_store %arg6[%parallel_loop3A_426, %parallel_loop3A_427, %parallel_loop3A_428], %parallel_loop3A_431 {strides = array<i32>} : memref<5x128x128xf32, #tpu.memory_space<vmem>>, vector<1x1x16xf32>,
        %parallel_loop3A_432 = arith.constant 2 : i32
        %parallel_loop3A_433 = arith.index_cast %parallel_loop3A_432 : i32 to index
        %parallel_loop3A_434 = arith.index_cast %parallel_loop3A_383 : i32 to index
        %parallel_loop3A_435 = arith.constant 48 : index
        %parallel_loop3A_436 = tpu.vector_load %arg6[%parallel_loop3A_433, %parallel_loop3A_434, %parallel_loop3A_435] {strides = array<i32>} : memref<5x128x128xf32, #tpu.memory_space<vmem>>, vector<1x1x16xf32>,
        %parallel_loop3A_437 = vector.shape_cast %parallel_loop3A_436 : vector<1x1x16xf32> to vector<16xf32>
        %parallel_loop3A_438 = arith.constant 11.3137083 : f32
        %parallel_loop3A_439 = vector.broadcast %parallel_loop3A_438 : f32 to vector<16xf32>
        %parallel_loop3A_440 = arith.mulf %parallel_loop3A_437, %parallel_loop3A_439 : vector<16xf32>
        %parallel_loop3A_441 = arith.constant 2 : i32
        %parallel_loop3A_442 = arith.index_cast %parallel_loop3A_441 : i32 to index
        %parallel_loop3A_443 = arith.index_cast %parallel_loop3A_383 : i32 to index
        %parallel_loop3A_444 = arith.constant 48 : index
        %parallel_loop3A_445 = tpu.vector_load %arg6[%parallel_loop3A_442, %parallel_loop3A_443, %parallel_loop3A_444] {strides = array<i32>} : memref<5x128x128xf32, #tpu.memory_space<vmem>>, vector<1x1x16xf32>,
        %parallel_loop3A_446 = vector.shape_cast %parallel_loop3A_445 : vector<1x1x16xf32> to vector<16xf32>
        %parallel_loop3A_447 = vector.shape_cast %parallel_loop3A_440 : vector<16xf32> to vector<1x1x16xf32>
        tpu.vector_store %arg6[%parallel_loop3A_442, %parallel_loop3A_443, %parallel_loop3A_444], %parallel_loop3A_447 {strides = array<i32>} : memref<5x128x128xf32, #tpu.memory_space<vmem>>, vector<1x1x16xf32>,
        %parallel_loop3A_448 = arith.constant 2 : i32
        %parallel_loop3A_449 = arith.index_cast %parallel_loop3A_448 : i32 to index
        %parallel_loop3A_450 = arith.index_cast %parallel_loop3A_383 : i32 to index
        %parallel_loop3A_451 = arith.constant 64 : index
        %parallel_loop3A_452 = tpu.vector_load %arg6[%parallel_loop3A_449, %parallel_loop3A_450, %parallel_loop3A_451] {strides = array<i32>} : memref<5x128x128xf32, #tpu.memory_space<vmem>>, vector<1x1x16xf32>,
        %parallel_loop3A_453 = vector.shape_cast %parallel_loop3A_452 : vector<1x1x16xf32> to vector<16xf32>
        %parallel_loop3A_454 = arith.constant 11.3137083 : f32
        %parallel_loop3A_455 = vector.broadcast %parallel_loop3A_454 : f32 to vector<16xf32>
        %parallel_loop3A_456 = arith.mulf %parallel_loop3A_453, %parallel_loop3A_455 : vector<16xf32>
        %parallel_loop3A_457 = arith.constant 2 : i32
        %parallel_loop3A_458 = arith.index_cast %parallel_loop3A_457 : i32 to index
        %parallel_loop3A_459 = arith.index_cast %parallel_loop3A_383 : i32 to index
        %parallel_loop3A_460 = arith.constant 64 : index
        %parallel_loop3A_461 = tpu.vector_load %arg6[%parallel_loop3A_458, %parallel_loop3A_459, %parallel_loop3A_460] {strides = array<i32>} : memref<5x128x128xf32, #tpu.memory_space<vmem>>, vector<1x1x16xf32>,
        %parallel_loop3A_462 = vector.shape_cast %parallel_loop3A_461 : vector<1x1x16xf32> to vector<16xf32>
        %parallel_loop3A_463 = vector.shape_cast %parallel_loop3A_456 : vector<16xf32> to vector<1x1x16xf32>
        tpu.vector_store %arg6[%parallel_loop3A_458, %parallel_loop3A_459, %parallel_loop3A_460], %parallel_loop3A_463 {strides = array<i32>} : memref<5x128x128xf32, #tpu.memory_space<vmem>>, vector<1x1x16xf32>,
        %parallel_loop3A_464 = arith.constant 2 : i32
        %parallel_loop3A_465 = arith.index_cast %parallel_loop3A_464 : i32 to index
        %parallel_loop3A_466 = arith.index_cast %parallel_loop3A_383 : i32 to index
        %parallel_loop3A_467 = arith.constant 80 : index
        %parallel_loop3A_468 = tpu.vector_load %arg6[%parallel_loop3A_465, %parallel_loop3A_466, %parallel_loop3A_467] {strides = array<i32>} : memref<5x128x128xf32, #tpu.memory_space<vmem>>, vector<1x1x16xf32>,
        %parallel_loop3A_469 = vector.shape_cast %parallel_loop3A_468 : vector<1x1x16xf32> to vector<16xf32>
        %parallel_loop3A_470 = arith.constant 11.3137083 : f32
        %parallel_loop3A_471 = vector.broadcast %parallel_loop3A_470 : f32 to vector<16xf32>
        %parallel_loop3A_472 = arith.mulf %parallel_loop3A_469, %parallel_loop3A_471 : vector<16xf32>
        %parallel_loop3A_473 = arith.constant 2 : i32
        %parallel_loop3A_474 = arith.index_cast %parallel_loop3A_473 : i32 to index
        %parallel_loop3A_475 = arith.index_cast %parallel_loop3A_383 : i32 to index
        %parallel_loop3A_476 = arith.constant 80 : index
        %parallel_loop3A_477 = tpu.vector_load %arg6[%parallel_loop3A_474, %parallel_loop3A_475, %parallel_loop3A_476] {strides = array<i32>} : memref<5x128x128xf32, #tpu.memory_space<vmem>>, vector<1x1x16xf32>,
        %parallel_loop3A_478 = vector.shape_cast %parallel_loop3A_477 : vector<1x1x16xf32> to vector<16xf32>
        %parallel_loop3A_479 = vector.shape_cast %parallel_loop3A_472 : vector<16xf32> to vector<1x1x16xf32>
        tpu.vector_store %arg6[%parallel_loop3A_474, %parallel_loop3A_475, %parallel_loop3A_476], %parallel_loop3A_479 {strides = array<i32>} : memref<5x128x128xf32, #tpu.memory_space<vmem>>, vector<1x1x16xf32>,
        %parallel_loop3A_480 = arith.constant 2 : i32
        %parallel_loop3A_481 = arith.index_cast %parallel_loop3A_480 : i32 to index
        %parallel_loop3A_482 = arith.index_cast %parallel_loop3A_383 : i32 to index
        %parallel_loop3A_483 = arith.constant 96 : index
        %parallel_loop3A_484 = tpu.vector_load %arg6[%parallel_loop3A_481, %parallel_loop3A_482, %parallel_loop3A_483] {strides = array<i32>} : memref<5x128x128xf32, #tpu.memory_space<vmem>>, vector<1x1x16xf32>,
        %parallel_loop3A_485 = vector.shape_cast %parallel_loop3A_484 : vector<1x1x16xf32> to vector<16xf32>
        %parallel_loop3A_486 = arith.constant 11.3137083 : f32
        %parallel_loop3A_487 = vector.broadcast %parallel_loop3A_486 : f32 to vector<16xf32>
        %parallel_loop3A_488 = arith.mulf %parallel_loop3A_485, %parallel_loop3A_487 : vector<16xf32>
        %parallel_loop3A_489 = arith.constant 2 : i32
        %parallel_loop3A_490 = arith.index_cast %parallel_loop3A_489 : i32 to index
        %parallel_loop3A_491 = arith.index_cast %parallel_loop3A_383 : i32 to index
        %parallel_loop3A_492 = arith.constant 96 : index
        %parallel_loop3A_493 = tpu.vector_load %arg6[%parallel_loop3A_490, %parallel_loop3A_491, %parallel_loop3A_492] {strides = array<i32>} : memref<5x128x128xf32, #tpu.memory_space<vmem>>, vector<1x1x16xf32>,
        %parallel_loop3A_494 = vector.shape_cast %parallel_loop3A_493 : vector<1x1x16xf32> to vector<16xf32>
        %parallel_loop3A_495 = vector.shape_cast %parallel_loop3A_488 : vector<16xf32> to vector<1x1x16xf32>
        tpu.vector_store %arg6[%parallel_loop3A_490, %parallel_loop3A_491, %parallel_loop3A_492], %parallel_loop3A_495 {strides = array<i32>} : memref<5x128x128xf32, #tpu.memory_space<vmem>>, vector<1x1x16xf32>,
        %parallel_loop3A_496 = arith.constant 2 : i32
        %parallel_loop3A_497 = arith.index_cast %parallel_loop3A_496 : i32 to index
        %parallel_loop3A_498 = arith.index_cast %parallel_loop3A_383 : i32 to index
        %parallel_loop3A_499 = arith.constant 112 : index
        %parallel_loop3A_500 = tpu.vector_load %arg6[%parallel_loop3A_497, %parallel_loop3A_498, %parallel_loop3A_499] {strides = array<i32>} : memref<5x128x128xf32, #tpu.memory_space<vmem>>, vector<1x1x16xf32>,
        %parallel_loop3A_501 = vector.shape_cast %parallel_loop3A_500 : vector<1x1x16xf32> to vector<16xf32>
        %parallel_loop3A_502 = arith.constant 11.3137083 : f32
        %parallel_loop3A_503 = vector.broadcast %parallel_loop3A_502 : f32 to vector<16xf32>
        %parallel_loop3A_504 = arith.mulf %parallel_loop3A_501, %parallel_loop3A_503 : vector<16xf32>
        %parallel_loop3A_505 = arith.constant 2 : i32
        %parallel_loop3A_506 = arith.index_cast %parallel_loop3A_505 : i32 to index
        %parallel_loop3A_507 = arith.index_cast %parallel_loop3A_383 : i32 to index
        %parallel_loop3A_508 = arith.constant 112 : index
        %parallel_loop3A_509 = tpu.vector_load %arg6[%parallel_loop3A_506, %parallel_loop3A_507, %parallel_loop3A_508] {strides = array<i32>} : memref<5x128x128xf32, #tpu.memory_space<vmem>>, vector<1x1x16xf32>,
        %parallel_loop3A_510 = vector.shape_cast %parallel_loop3A_509 : vector<1x1x16xf32> to vector<16xf32>
        %parallel_loop3A_511 = vector.shape_cast %parallel_loop3A_504 : vector<16xf32> to vector<1x1x16xf32>
        tpu.vector_store %arg6[%parallel_loop3A_506, %parallel_loop3A_507, %parallel_loop3A_508], %parallel_loop3A_511 {strides = array<i32>} : memref<5x128x128xf32, #tpu.memory_space<vmem>>, vector<1x1x16xf32>,
      } {sc.loop_unroll_factor = 4 : i64, sc.parallel_access}
      %mul3A_268 = arith.constant 4096 : i32
      %mul3A_269 = arith.muli %add3A_242, %mul3A_268 : i32
      %add3A_270 = arith.addi %mul3A_269, %mul3A_2 : i32
      %dma_start3A_271 = arith.constant 2 : i32
      %dma_start3A_272 = arith.constant 2 : i32
      %dma_start3A_273 = arith.constant 0 : i32
      %dma_start3A_274 = arith.constant 0 : i32
      %dma_start3A_275 = tpu.memref_slice %arg6[%dma_start3A_271, %dma_start3A_273, %dma_start3A_274] : memref<5x128x128xf32, #tpu.memory_space<vmem>> -> memref<1x128x128xf32, #tpu.memory_space<vmem>>
      %dma_start3A_276 = tpu.memref_squeeze %dma_start3A_275 : memref<1x128x128xf32, #tpu.memory_space<vmem>> -> memref<128x128xf32, #tpu.memory_space<vmem>>
      %dma_start3A_277 = arith.constant 0 : i32
      %dma_start3A_278 = tpu.memref_slice %arg4[%add3A_270, %dma_start3A_277] : memref<204800x128xf32, #tpu.memory_space<hbm>> -> memref<128x128xf32, #tpu.memory_space<hbm>>
      %dma_start3A_279 = tpu.memref_slice %arg8[%dma_start3A_272] : memref<5x!tpu.dma_semaphore, #tpu.memory_space<semaphore_mem>> -> memref<1x!tpu.dma_semaphore, #tpu.memory_space<semaphore_mem>>
      %dma_start3A_280 = tpu.memref_squeeze %dma_start3A_279 : memref<1x!tpu.dma_semaphore, #tpu.memory_space<semaphore_mem>> -> memref<!tpu.dma_semaphore, #tpu.memory_space<semaphore_mem>>
      %dma_start3A_281 = arith.constant 0 : i32
      %dma_start3A_282 = tpu.memref_slice %arg4[%add3A_270, %dma_start3A_281] : memref<204800x128xf32, #tpu.memory_space<hbm>> -> memref<128x128xf32, #tpu.memory_space<hbm>>
      %dma_start3A_283 = arith.constant 0 : i32
      %dma_start3A_284 = arith.constant 0 : i32
      %dma_start3A_285 = tpu.memref_slice %arg6[%dma_start3A_271, %dma_start3A_283, %dma_start3A_284] : memref<5x128x128xf32, #tpu.memory_space<vmem>> -> memref<1x128x128xf32, #tpu.memory_space<vmem>>
      %dma_start3A_286 = tpu.memref_squeeze %dma_start3A_285 : memref<1x128x128xf32, #tpu.memory_space<vmem>> -> memref<128x128xf32, #tpu.memory_space<vmem>>
      tpu.enqueue_dma source(%dma_start3A_286 : memref<128x128xf32, #tpu.memory_space<vmem>>) target(%dma_start3A_282 : memref<128x128xf32, #tpu.memory_space<hbm>>) target_semaphore(%dma_start3A_280 : memref<!tpu.dma_semaphore, #tpu.memory_space<semaphore_mem>>)
      %mul3A_287 = arith.constant 5 : i32
      %mul3A_288 = arith.muli %scan3A_146, %mul3A_287 : i32
      %add3A_289 = arith.constant 3 : i32
      %add3A_290 = arith.addi %mul3A_288, %add3A_289 : i32
      %add3A_291 = arith.constant 4 : i32
      %add3A_292 = arith.addi %add3A_290, %add3A_291 : i32
      %lt3A_293 = arith.constant 50 : i32
      %lt3A_294 = arith.cmpi slt, %add3A_292, %lt3A_293 : i32
      %convert_element_type3A_295 = arith.extui %lt3A_294 : i1 to i32
      %cond3A_296 = arith.constant 0 : i32
      %cond3A_297 = arith.cmpi ne, %convert_element_type3A_295, %cond3A_296 : i32
      scf.if %cond3A_297 {
        %ge3A = arith.constant 5 : i32
        %ge3A_383 = arith.cmpi sge, %add3A_292, %ge3A : i32
        %convert_element_type3A_384 = arith.extui %ge3A_383 : i1 to i32
        %cond3A_385 = arith.constant 0 : i32
        %cond3A_386 = arith.cmpi ne, %convert_element_type3A_384, %cond3A_385 : i32
        scf.if %cond3A_386 {
          %dma_wait3A_401 = arith.constant 2 : i32
          %dma_wait3A_402 = arith.constant 2 : i32
          %dma_wait3A_403 = arith.constant 0 : i32
          %dma_wait3A_404 = arith.constant 0 : i32
          %dma_wait3A_405 = tpu.memref_slice %arg6[%dma_wait3A_401, %dma_wait3A_403, %dma_wait3A_404] : memref<5x128x128xf32, #tpu.memory_space<vmem>> -> memref<1x128x128xf32, #tpu.memory_space<vmem>>
          %dma_wait3A_406 = tpu.memref_squeeze %dma_wait3A_405 : memref<1x128x128xf32, #tpu.memory_space<vmem>> -> memref<128x128xf32, #tpu.memory_space<vmem>>
          %dma_wait3A_407 = arith.constant 0 : i32
          %dma_wait3A_408 = tpu.memref_slice %arg4[%mul3A_2, %dma_wait3A_407] : memref<204800x128xf32, #tpu.memory_space<hbm>> -> memref<128x128xf32, #tpu.memory_space<hbm>>
          %dma_wait3A_409 = tpu.memref_slice %arg8[%dma_wait3A_402] : memref<5x!tpu.dma_semaphore, #tpu.memory_space<semaphore_mem>> -> memref<1x!tpu.dma_semaphore, #tpu.memory_space<semaphore_mem>>
          %dma_wait3A_410 = tpu.memref_squeeze %dma_wait3A_409 : memref<1x!tpu.dma_semaphore, #tpu.memory_space<semaphore_mem>> -> memref<!tpu.dma_semaphore, #tpu.memory_space<semaphore_mem>>
          %dma_wait3A_411 = arith.constant 0 : i32
          %dma_wait3A_412 = tpu.memref_slice %arg4[%mul3A_2, %dma_wait3A_411] : memref<204800x128xf32, #tpu.memory_space<hbm>> -> memref<128x128xf32, #tpu.memory_space<hbm>>
          %dma_wait3A_413 = arith.constant 0 : i32
          %dma_wait3A_414 = arith.constant 0 : i32
          %dma_wait3A_415 = tpu.memref_slice %arg6[%dma_wait3A_401, %dma_wait3A_413, %dma_wait3A_414] : memref<5x128x128xf32, #tpu.memory_space<vmem>> -> memref<1x128x128xf32, #tpu.memory_space<vmem>>
          %dma_wait3A_416 = tpu.memref_squeeze %dma_wait3A_415 : memref<1x128x128xf32, #tpu.memory_space<vmem>> -> memref<128x128xf32, #tpu.memory_space<vmem>>
          tpu.wait_dma2 semaphore(%dma_wait3A_410 : memref<!tpu.dma_semaphore, #tpu.memory_space<semaphore_mem>>) src(%dma_wait3A_416 : memref<128x128xf32, #tpu.memory_space<vmem>>) dst(%dma_wait3A_412 : memref<128x128xf32, #tpu.memory_space<hbm>>)
        } else {
        }
        %dma_start3A_387 = arith.constant 2 : i32
        %dma_start3A_388 = arith.constant 2 : i32
        %dma_start3A_389 = arith.constant 0 : i32
        %dma_start3A_390 = arith.constant 0 : i32
        %dma_start3A_391 = tpu.memref_slice %arg6[%dma_start3A_387, %dma_start3A_389, %dma_start3A_390] : memref<5x128x128xf32, #tpu.memory_space<vmem>> -> memref<1x128x128xf32, #tpu.memory_space<vmem>>
        %dma_start3A_392 = tpu.memref_squeeze %dma_start3A_391 : memref<1x128x128xf32, #tpu.memory_space<vmem>> -> memref<128x128xf32, #tpu.memory_space<vmem>>
        %dma_start3A_393 = arith.constant 0 : i32
        %dma_start3A_394 = tpu.memref_slice %arg5[%add3A_292, %dma_start3A_393] : memref<50x128xi32, #tpu.memory_space<vmem>> -> memref<1x128xi32, #tpu.memory_space<vmem>>
        %dma_start3A_395 = tpu.memref_squeeze %dma_start3A_394 : memref<1x128xi32, #tpu.memory_space<vmem>> -> memref<128xi32, #tpu.memory_space<vmem>>
        %dma_start3A_396 = arith.constant 0 : i32
        %dma_start3A_397 = arith.constant 0 : i32
        %dma_start3A_398 = tpu.memref_slice %arg3[%dma_start3A_396, %dma_start3A_397] : memref<100000x128xf32, #tpu.memory_space<hbm>> -> memref<100000x128xf32, #tpu.memory_space<hbm>>
        %dma_start3A_399 = tpu.memref_slice %arg7[%dma_start3A_388] : memref<5x!tpu.dma_semaphore, #tpu.memory_space<semaphore_mem>> -> memref<1x!tpu.dma_semaphore, #tpu.memory_space<semaphore_mem>>
        %dma_start3A_400 = tpu.memref_squeeze %dma_start3A_399 : memref<1x!tpu.dma_semaphore, #tpu.memory_space<semaphore_mem>> -> memref<!tpu.dma_semaphore, #tpu.memory_space<semaphore_mem>>
        tpu.enqueue_indirect_dma source(%dma_start3A_398 : memref<100000x128xf32, #tpu.memory_space<hbm>>) target(%dma_start3A_392 : memref<128x128xf32, #tpu.memory_space<vmem>>) offsets(%dma_start3A_395 : memref<128xi32, #tpu.memory_space<vmem>>) semaphore(%dma_start3A_400 : memref<!tpu.dma_semaphore, #tpu.memory_space<semaphore_mem>>)
      } else {
      }
      %dma_wait3A_298 = arith.constant 0 : i32
      %dma_wait3A_299 = arith.constant 3 : i32
      %dma_wait3A_300 = arith.constant 3 : i32
      %dma_wait3A_301 = arith.constant 0 : i32
      %dma_wait3A_302 = arith.constant 0 : i32
      %dma_wait3A_303 = tpu.memref_slice %arg6[%dma_wait3A_299, %dma_wait3A_301, %dma_wait3A_302] : memref<5x128x128xf32, #tpu.memory_space<vmem>> -> memref<1x128x128xf32, #tpu.memory_space<vmem>>
      %dma_wait3A_304 = tpu.memref_squeeze %dma_wait3A_303 : memref<1x128x128xf32, #tpu.memory_space<vmem>> -> memref<128x128xf32, #tpu.memory_space<vmem>>
      %dma_wait3A_305 = arith.constant 0 : i32
      %dma_wait3A_306 = tpu.memref_slice %arg5[%dma_wait3A_298, %dma_wait3A_305] : memref<50x128xi32, #tpu.memory_space<vmem>> -> memref<1x128xi32, #tpu.memory_space<vmem>>
      %dma_wait3A_307 = tpu.memref_squeeze %dma_wait3A_306 : memref<1x128xi32, #tpu.memory_space<vmem>> -> memref<128xi32, #tpu.memory_space<vmem>>
      %dma_wait3A_308 = arith.constant 0 : i32
      %dma_wait3A_309 = arith.constant 0 : i32
      %dma_wait3A_310 = tpu.memref_slice %arg3[%dma_wait3A_308, %dma_wait3A_309] : memref<100000x128xf32, #tpu.memory_space<hbm>> -> memref<100000x128xf32, #tpu.memory_space<hbm>>
      %dma_wait3A_311 = tpu.memref_slice %arg7[%dma_wait3A_300] : memref<5x!tpu.dma_semaphore, #tpu.memory_space<semaphore_mem>> -> memref<1x!tpu.dma_semaphore, #tpu.memory_space<semaphore_mem>>
      %dma_wait3A_312 = tpu.memref_squeeze %dma_wait3A_311 : memref<1x!tpu.dma_semaphore, #tpu.memory_space<semaphore_mem>> -> memref<!tpu.dma_semaphore, #tpu.memory_space<semaphore_mem>>
      tpu.wait_indirect_dma semaphore(%dma_wait3A_312 : memref<!tpu.dma_semaphore, #tpu.memory_space<semaphore_mem>>) src(%dma_wait3A_310 : memref<100000x128xf32, #tpu.memory_space<hbm>>) dst(%dma_wait3A_304 : memref<128x128xf32, #tpu.memory_space<vmem>>)
      %parallel_loop3A_313 = arith.constant 0 : i32
      %parallel_loop3A_314 = arith.constant 128 : i32
      %parallel_loop3A_315 = arith.constant 1 : i32
      scf.for %parallel_loop3A_383 = %parallel_loop3A_313 to %parallel_loop3A_314 step %parallel_loop3A_315  : i32 {
        %parallel_loop3A_384 = arith.constant 3 : i32
        %parallel_loop3A_385 = arith.index_cast %parallel_loop3A_384 : i32 to index
        %parallel_loop3A_386 = arith.index_cast %parallel_loop3A_383 : i32 to index
        %parallel_loop3A_387 = arith.constant 0 : index
        %parallel_loop3A_388 = tpu.vector_load %arg6[%parallel_loop3A_385, %parallel_loop3A_386, %parallel_loop3A_387] {strides = array<i32>} : memref<5x128x128xf32, #tpu.memory_space<vmem>>, vector<1x1x16xf32>,
        %parallel_loop3A_389 = vector.shape_cast %parallel_loop3A_388 : vector<1x1x16xf32> to vector<16xf32>
        %parallel_loop3A_390 = arith.constant 11.3137083 : f32
        %parallel_loop3A_391 = vector.broadcast %parallel_loop3A_390 : f32 to vector<16xf32>
        %parallel_loop3A_392 = arith.mulf %parallel_loop3A_389, %parallel_loop3A_391 : vector<16xf32>
        %parallel_loop3A_393 = arith.constant 3 : i32
        %parallel_loop3A_394 = arith.index_cast %parallel_loop3A_393 : i32 to index
        %parallel_loop3A_395 = arith.index_cast %parallel_loop3A_383 : i32 to index
        %parallel_loop3A_396 = arith.constant 0 : index
        %parallel_loop3A_397 = tpu.vector_load %arg6[%parallel_loop3A_394, %parallel_loop3A_395, %parallel_loop3A_396] {strides = array<i32>} : memref<5x128x128xf32, #tpu.memory_space<vmem>>, vector<1x1x16xf32>,
        %parallel_loop3A_398 = vector.shape_cast %parallel_loop3A_397 : vector<1x1x16xf32> to vector<16xf32>
        %parallel_loop3A_399 = vector.shape_cast %parallel_loop3A_392 : vector<16xf32> to vector<1x1x16xf32>
        tpu.vector_store %arg6[%parallel_loop3A_394, %parallel_loop3A_395, %parallel_loop3A_396], %parallel_loop3A_399 {strides = array<i32>} : memref<5x128x128xf32, #tpu.memory_space<vmem>>, vector<1x1x16xf32>,
        %parallel_loop3A_400 = arith.constant 3 : i32
        %parallel_loop3A_401 = arith.index_cast %parallel_loop3A_400 : i32 to index
        %parallel_loop3A_402 = arith.index_cast %parallel_loop3A_383 : i32 to index
        %parallel_loop3A_403 = arith.constant 16 : index
        %parallel_loop3A_404 = tpu.vector_load %arg6[%parallel_loop3A_401, %parallel_loop3A_402, %parallel_loop3A_403] {strides = array<i32>} : memref<5x128x128xf32, #tpu.memory_space<vmem>>, vector<1x1x16xf32>,
        %parallel_loop3A_405 = vector.shape_cast %parallel_loop3A_404 : vector<1x1x16xf32> to vector<16xf32>
        %parallel_loop3A_406 = arith.constant 11.3137083 : f32
        %parallel_loop3A_407 = vector.broadcast %parallel_loop3A_406 : f32 to vector<16xf32>
        %parallel_loop3A_408 = arith.mulf %parallel_loop3A_405, %parallel_loop3A_407 : vector<16xf32>
        %parallel_loop3A_409 = arith.constant 3 : i32
        %parallel_loop3A_410 = arith.index_cast %parallel_loop3A_409 : i32 to index
        %parallel_loop3A_411 = arith.index_cast %parallel_loop3A_383 : i32 to index
        %parallel_loop3A_412 = arith.constant 16 : index
        %parallel_loop3A_413 = tpu.vector_load %arg6[%parallel_loop3A_410, %parallel_loop3A_411, %parallel_loop3A_412] {strides = array<i32>} : memref<5x128x128xf32, #tpu.memory_space<vmem>>, vector<1x1x16xf32>,
        %parallel_loop3A_414 = vector.shape_cast %parallel_loop3A_413 : vector<1x1x16xf32> to vector<16xf32>
        %parallel_loop3A_415 = vector.shape_cast %parallel_loop3A_408 : vector<16xf32> to vector<1x1x16xf32>
        tpu.vector_store %arg6[%parallel_loop3A_410, %parallel_loop3A_411, %parallel_loop3A_412], %parallel_loop3A_415 {strides = array<i32>} : memref<5x128x128xf32, #tpu.memory_space<vmem>>, vector<1x1x16xf32>,
        %parallel_loop3A_416 = arith.constant 3 : i32
        %parallel_loop3A_417 = arith.index_cast %parallel_loop3A_416 : i32 to index
        %parallel_loop3A_418 = arith.index_cast %parallel_loop3A_383 : i32 to index
        %parallel_loop3A_419 = arith.constant 32 : index
        %parallel_loop3A_420 = tpu.vector_load %arg6[%parallel_loop3A_417, %parallel_loop3A_418, %parallel_loop3A_419] {strides = array<i32>} : memref<5x128x128xf32, #tpu.memory_space<vmem>>, vector<1x1x16xf32>,
        %parallel_loop3A_421 = vector.shape_cast %parallel_loop3A_420 : vector<1x1x16xf32> to vector<16xf32>
        %parallel_loop3A_422 = arith.constant 11.3137083 : f32
        %parallel_loop3A_423 = vector.broadcast %parallel_loop3A_422 : f32 to vector<16xf32>
        %parallel_loop3A_424 = arith.mulf %parallel_loop3A_421, %parallel_loop3A_423 : vector<16xf32>
        %parallel_loop3A_425 = arith.constant 3 : i32
        %parallel_loop3A_426 = arith.index_cast %parallel_loop3A_425 : i32 to index
        %parallel_loop3A_427 = arith.index_cast %parallel_loop3A_383 : i32 to index
        %parallel_loop3A_428 = arith.constant 32 : index
        %parallel_loop3A_429 = tpu.vector_load %arg6[%parallel_loop3A_426, %parallel_loop3A_427, %parallel_loop3A_428] {strides = array<i32>} : memref<5x128x128xf32, #tpu.memory_space<vmem>>, vector<1x1x16xf32>,
        %parallel_loop3A_430 = vector.shape_cast %parallel_loop3A_429 : vector<1x1x16xf32> to vector<16xf32>
        %parallel_loop3A_431 = vector.shape_cast %parallel_loop3A_424 : vector<16xf32> to vector<1x1x16xf32>
        tpu.vector_store %arg6[%parallel_loop3A_426, %parallel_loop3A_427, %parallel_loop3A_428], %parallel_loop3A_431 {strides = array<i32>} : memref<5x128x128xf32, #tpu.memory_space<vmem>>, vector<1x1x16xf32>,
        %parallel_loop3A_432 = arith.constant 3 : i32
        %parallel_loop3A_433 = arith.index_cast %parallel_loop3A_432 : i32 to index
        %parallel_loop3A_434 = arith.index_cast %parallel_loop3A_383 : i32 to index
        %parallel_loop3A_435 = arith.constant 48 : index
        %parallel_loop3A_436 = tpu.vector_load %arg6[%parallel_loop3A_433, %parallel_loop3A_434, %parallel_loop3A_435] {strides = array<i32>} : memref<5x128x128xf32, #tpu.memory_space<vmem>>, vector<1x1x16xf32>,
        %parallel_loop3A_437 = vector.shape_cast %parallel_loop3A_436 : vector<1x1x16xf32> to vector<16xf32>
        %parallel_loop3A_438 = arith.constant 11.3137083 : f32
        %parallel_loop3A_439 = vector.broadcast %parallel_loop3A_438 : f32 to vector<16xf32>
        %parallel_loop3A_440 = arith.mulf %parallel_loop3A_437, %parallel_loop3A_439 : vector<16xf32>
        %parallel_loop3A_441 = arith.constant 3 : i32
        %parallel_loop3A_442 = arith.index_cast %parallel_loop3A_441 : i32 to index
        %parallel_loop3A_443 = arith.index_cast %parallel_loop3A_383 : i32 to index
        %parallel_loop3A_444 = arith.constant 48 : index
        %parallel_loop3A_445 = tpu.vector_load %arg6[%parallel_loop3A_442, %parallel_loop3A_443, %parallel_loop3A_444] {strides = array<i32>} : memref<5x128x128xf32, #tpu.memory_space<vmem>>, vector<1x1x16xf32>,
        %parallel_loop3A_446 = vector.shape_cast %parallel_loop3A_445 : vector<1x1x16xf32> to vector<16xf32>
        %parallel_loop3A_447 = vector.shape_cast %parallel_loop3A_440 : vector<16xf32> to vector<1x1x16xf32>
        tpu.vector_store %arg6[%parallel_loop3A_442, %parallel_loop3A_443, %parallel_loop3A_444], %parallel_loop3A_447 {strides = array<i32>} : memref<5x128x128xf32, #tpu.memory_space<vmem>>, vector<1x1x16xf32>,
        %parallel_loop3A_448 = arith.constant 3 : i32
        %parallel_loop3A_449 = arith.index_cast %parallel_loop3A_448 : i32 to index
        %parallel_loop3A_450 = arith.index_cast %parallel_loop3A_383 : i32 to index
        %parallel_loop3A_451 = arith.constant 64 : index
        %parallel_loop3A_452 = tpu.vector_load %arg6[%parallel_loop3A_449, %parallel_loop3A_450, %parallel_loop3A_451] {strides = array<i32>} : memref<5x128x128xf32, #tpu.memory_space<vmem>>, vector<1x1x16xf32>,
        %parallel_loop3A_453 = vector.shape_cast %parallel_loop3A_452 : vector<1x1x16xf32> to vector<16xf32>
        %parallel_loop3A_454 = arith.constant 11.3137083 : f32
        %parallel_loop3A_455 = vector.broadcast %parallel_loop3A_454 : f32 to vector<16xf32>
        %parallel_loop3A_456 = arith.mulf %parallel_loop3A_453, %parallel_loop3A_455 : vector<16xf32>
        %parallel_loop3A_457 = arith.constant 3 : i32
        %parallel_loop3A_458 = arith.index_cast %parallel_loop3A_457 : i32 to index
        %parallel_loop3A_459 = arith.index_cast %parallel_loop3A_383 : i32 to index
        %parallel_loop3A_460 = arith.constant 64 : index
        %parallel_loop3A_461 = tpu.vector_load %arg6[%parallel_loop3A_458, %parallel_loop3A_459, %parallel_loop3A_460] {strides = array<i32>} : memref<5x128x128xf32, #tpu.memory_space<vmem>>, vector<1x1x16xf32>,
        %parallel_loop3A_462 = vector.shape_cast %parallel_loop3A_461 : vector<1x1x16xf32> to vector<16xf32>
        %parallel_loop3A_463 = vector.shape_cast %parallel_loop3A_456 : vector<16xf32> to vector<1x1x16xf32>
        tpu.vector_store %arg6[%parallel_loop3A_458, %parallel_loop3A_459, %parallel_loop3A_460], %parallel_loop3A_463 {strides = array<i32>} : memref<5x128x128xf32, #tpu.memory_space<vmem>>, vector<1x1x16xf32>,
        %parallel_loop3A_464 = arith.constant 3 : i32
        %parallel_loop3A_465 = arith.index_cast %parallel_loop3A_464 : i32 to index
        %parallel_loop3A_466 = arith.index_cast %parallel_loop3A_383 : i32 to index
        %parallel_loop3A_467 = arith.constant 80 : index
        %parallel_loop3A_468 = tpu.vector_load %arg6[%parallel_loop3A_465, %parallel_loop3A_466, %parallel_loop3A_467] {strides = array<i32>} : memref<5x128x128xf32, #tpu.memory_space<vmem>>, vector<1x1x16xf32>,
        %parallel_loop3A_469 = vector.shape_cast %parallel_loop3A_468 : vector<1x1x16xf32> to vector<16xf32>
        %parallel_loop3A_470 = arith.constant 11.3137083 : f32
        %parallel_loop3A_471 = vector.broadcast %parallel_loop3A_470 : f32 to vector<16xf32>
        %parallel_loop3A_472 = arith.mulf %parallel_loop3A_469, %parallel_loop3A_471 : vector<16xf32>
        %parallel_loop3A_473 = arith.constant 3 : i32
        %parallel_loop3A_474 = arith.index_cast %parallel_loop3A_473 : i32 to index
        %parallel_loop3A_475 = arith.index_cast %parallel_loop3A_383 : i32 to index
        %parallel_loop3A_476 = arith.constant 80 : index
        %parallel_loop3A_477 = tpu.vector_load %arg6[%parallel_loop3A_474, %parallel_loop3A_475, %parallel_loop3A_476] {strides = array<i32>} : memref<5x128x128xf32, #tpu.memory_space<vmem>>, vector<1x1x16xf32>,
        %parallel_loop3A_478 = vector.shape_cast %parallel_loop3A_477 : vector<1x1x16xf32> to vector<16xf32>
        %parallel_loop3A_479 = vector.shape_cast %parallel_loop3A_472 : vector<16xf32> to vector<1x1x16xf32>
        tpu.vector_store %arg6[%parallel_loop3A_474, %parallel_loop3A_475, %parallel_loop3A_476], %parallel_loop3A_479 {strides = array<i32>} : memref<5x128x128xf32, #tpu.memory_space<vmem>>, vector<1x1x16xf32>,
        %parallel_loop3A_480 = arith.constant 3 : i32
        %parallel_loop3A_481 = arith.index_cast %parallel_loop3A_480 : i32 to index
        %parallel_loop3A_482 = arith.index_cast %parallel_loop3A_383 : i32 to index
        %parallel_loop3A_483 = arith.constant 96 : index
        %parallel_loop3A_484 = tpu.vector_load %arg6[%parallel_loop3A_481, %parallel_loop3A_482, %parallel_loop3A_483] {strides = array<i32>} : memref<5x128x128xf32, #tpu.memory_space<vmem>>, vector<1x1x16xf32>,
        %parallel_loop3A_485 = vector.shape_cast %parallel_loop3A_484 : vector<1x1x16xf32> to vector<16xf32>
        %parallel_loop3A_486 = arith.constant 11.3137083 : f32
        %parallel_loop3A_487 = vector.broadcast %parallel_loop3A_486 : f32 to vector<16xf32>
        %parallel_loop3A_488 = arith.mulf %parallel_loop3A_485, %parallel_loop3A_487 : vector<16xf32>
        %parallel_loop3A_489 = arith.constant 3 : i32
        %parallel_loop3A_490 = arith.index_cast %parallel_loop3A_489 : i32 to index
        %parallel_loop3A_491 = arith.index_cast %parallel_loop3A_383 : i32 to index
        %parallel_loop3A_492 = arith.constant 96 : index
        %parallel_loop3A_493 = tpu.vector_load %arg6[%parallel_loop3A_490, %parallel_loop3A_491, %parallel_loop3A_492] {strides = array<i32>} : memref<5x128x128xf32, #tpu.memory_space<vmem>>, vector<1x1x16xf32>,
        %parallel_loop3A_494 = vector.shape_cast %parallel_loop3A_493 : vector<1x1x16xf32> to vector<16xf32>
        %parallel_loop3A_495 = vector.shape_cast %parallel_loop3A_488 : vector<16xf32> to vector<1x1x16xf32>
        tpu.vector_store %arg6[%parallel_loop3A_490, %parallel_loop3A_491, %parallel_loop3A_492], %parallel_loop3A_495 {strides = array<i32>} : memref<5x128x128xf32, #tpu.memory_space<vmem>>, vector<1x1x16xf32>,
        %parallel_loop3A_496 = arith.constant 3 : i32
        %parallel_loop3A_497 = arith.index_cast %parallel_loop3A_496 : i32 to index
        %parallel_loop3A_498 = arith.index_cast %parallel_loop3A_383 : i32 to index
        %parallel_loop3A_499 = arith.constant 112 : index
        %parallel_loop3A_500 = tpu.vector_load %arg6[%parallel_loop3A_497, %parallel_loop3A_498, %parallel_loop3A_499] {strides = array<i32>} : memref<5x128x128xf32, #tpu.memory_space<vmem>>, vector<1x1x16xf32>,
        %parallel_loop3A_501 = vector.shape_cast %parallel_loop3A_500 : vector<1x1x16xf32> to vector<16xf32>
        %parallel_loop3A_502 = arith.constant 11.3137083 : f32
        %parallel_loop3A_503 = vector.broadcast %parallel_loop3A_502 : f32 to vector<16xf32>
        %parallel_loop3A_504 = arith.mulf %parallel_loop3A_501, %parallel_loop3A_503 : vector<16xf32>
        %parallel_loop3A_505 = arith.constant 3 : i32
        %parallel_loop3A_506 = arith.index_cast %parallel_loop3A_505 : i32 to index
        %parallel_loop3A_507 = arith.index_cast %parallel_loop3A_383 : i32 to index
        %parallel_loop3A_508 = arith.constant 112 : index
        %parallel_loop3A_509 = tpu.vector_load %arg6[%parallel_loop3A_506, %parallel_loop3A_507, %parallel_loop3A_508] {strides = array<i32>} : memref<5x128x128xf32, #tpu.memory_space<vmem>>, vector<1x1x16xf32>,
        %parallel_loop3A_510 = vector.shape_cast %parallel_loop3A_509 : vector<1x1x16xf32> to vector<16xf32>
        %parallel_loop3A_511 = vector.shape_cast %parallel_loop3A_504 : vector<16xf32> to vector<1x1x16xf32>
        tpu.vector_store %arg6[%parallel_loop3A_506, %parallel_loop3A_507, %parallel_loop3A_508], %parallel_loop3A_511 {strides = array<i32>} : memref<5x128x128xf32, #tpu.memory_space<vmem>>, vector<1x1x16xf32>,
      } {sc.loop_unroll_factor = 4 : i64, sc.parallel_access}
      %mul3A_316 = arith.constant 4096 : i32
      %mul3A_317 = arith.muli %add3A_290, %mul3A_316 : i32
      %add3A_318 = arith.addi %mul3A_317, %mul3A_2 : i32
      %dma_start3A_319 = arith.constant 3 : i32
      %dma_start3A_320 = arith.constant 3 : i32
      %dma_start3A_321 = arith.constant 0 : i32
      %dma_start3A_322 = arith.constant 0 : i32
      %dma_start3A_323 = tpu.memref_slice %arg6[%dma_start3A_319, %dma_start3A_321, %dma_start3A_322] : memref<5x128x128xf32, #tpu.memory_space<vmem>> -> memref<1x128x128xf32, #tpu.memory_space<vmem>>
      %dma_start3A_324 = tpu.memref_squeeze %dma_start3A_323 : memref<1x128x128xf32, #tpu.memory_space<vmem>> -> memref<128x128xf32, #tpu.memory_space<vmem>>
      %dma_start3A_325 = arith.constant 0 : i32
      %dma_start3A_326 = tpu.memref_slice %arg4[%add3A_318, %dma_start3A_325] : memref<204800x128xf32, #tpu.memory_space<hbm>> -> memref<128x128xf32, #tpu.memory_space<hbm>>
      %dma_start3A_327 = tpu.memref_slice %arg8[%dma_start3A_320] : memref<5x!tpu.dma_semaphore, #tpu.memory_space<semaphore_mem>> -> memref<1x!tpu.dma_semaphore, #tpu.memory_space<semaphore_mem>>
      %dma_start3A_328 = tpu.memref_squeeze %dma_start3A_327 : memref<1x!tpu.dma_semaphore, #tpu.memory_space<semaphore_mem>> -> memref<!tpu.dma_semaphore, #tpu.memory_space<semaphore_mem>>
      %dma_start3A_329 = arith.constant 0 : i32
      %dma_start3A_330 = tpu.memref_slice %arg4[%add3A_318, %dma_start3A_329] : memref<204800x128xf32, #tpu.memory_space<hbm>> -> memref<128x128xf32, #tpu.memory_space<hbm>>
      %dma_start3A_331 = arith.constant 0 : i32
      %dma_start3A_332 = arith.constant 0 : i32
      %dma_start3A_333 = tpu.memref_slice %arg6[%dma_start3A_319, %dma_start3A_331, %dma_start3A_332] : memref<5x128x128xf32, #tpu.memory_space<vmem>> -> memref<1x128x128xf32, #tpu.memory_space<vmem>>
      %dma_start3A_334 = tpu.memref_squeeze %dma_start3A_333 : memref<1x128x128xf32, #tpu.memory_space<vmem>> -> memref<128x128xf32, #tpu.memory_space<vmem>>
      tpu.enqueue_dma source(%dma_start3A_334 : memref<128x128xf32, #tpu.memory_space<vmem>>) target(%dma_start3A_330 : memref<128x128xf32, #tpu.memory_space<hbm>>) target_semaphore(%dma_start3A_328 : memref<!tpu.dma_semaphore, #tpu.memory_space<semaphore_mem>>)
      %mul3A_335 = arith.constant 5 : i32
      %mul3A_336 = arith.muli %scan3A_146, %mul3A_335 : i32
      %add3A_337 = arith.constant 4 : i32
      %add3A_338 = arith.addi %mul3A_336, %add3A_337 : i32
      %add3A_339 = arith.constant 4 : i32
      %add3A_340 = arith.addi %add3A_338, %add3A_339 : i32
      %lt3A_341 = arith.constant 50 : i32
      %lt3A_342 = arith.cmpi slt, %add3A_340, %lt3A_341 : i32
      %convert_element_type3A_343 = arith.extui %lt3A_342 : i1 to i32
      %cond3A_344 = arith.constant 0 : i32
      %cond3A_345 = arith.cmpi ne, %convert_element_type3A_343, %cond3A_344 : i32
      scf.if %cond3A_345 {
        %ge3A = arith.constant 5 : i32
        %ge3A_383 = arith.cmpi sge, %add3A_340, %ge3A : i32
        %convert_element_type3A_384 = arith.extui %ge3A_383 : i1 to i32
        %cond3A_385 = arith.constant 0 : i32
        %cond3A_386 = arith.cmpi ne, %convert_element_type3A_384, %cond3A_385 : i32
        scf.if %cond3A_386 {
          %dma_wait3A_401 = arith.constant 3 : i32
          %dma_wait3A_402 = arith.constant 3 : i32
          %dma_wait3A_403 = arith.constant 0 : i32
          %dma_wait3A_404 = arith.constant 0 : i32
          %dma_wait3A_405 = tpu.memref_slice %arg6[%dma_wait3A_401, %dma_wait3A_403, %dma_wait3A_404] : memref<5x128x128xf32, #tpu.memory_space<vmem>> -> memref<1x128x128xf32, #tpu.memory_space<vmem>>
          %dma_wait3A_406 = tpu.memref_squeeze %dma_wait3A_405 : memref<1x128x128xf32, #tpu.memory_space<vmem>> -> memref<128x128xf32, #tpu.memory_space<vmem>>
          %dma_wait3A_407 = arith.constant 0 : i32
          %dma_wait3A_408 = tpu.memref_slice %arg4[%mul3A_2, %dma_wait3A_407] : memref<204800x128xf32, #tpu.memory_space<hbm>> -> memref<128x128xf32, #tpu.memory_space<hbm>>
          %dma_wait3A_409 = tpu.memref_slice %arg8[%dma_wait3A_402] : memref<5x!tpu.dma_semaphore, #tpu.memory_space<semaphore_mem>> -> memref<1x!tpu.dma_semaphore, #tpu.memory_space<semaphore_mem>>
          %dma_wait3A_410 = tpu.memref_squeeze %dma_wait3A_409 : memref<1x!tpu.dma_semaphore, #tpu.memory_space<semaphore_mem>> -> memref<!tpu.dma_semaphore, #tpu.memory_space<semaphore_mem>>
          %dma_wait3A_411 = arith.constant 0 : i32
          %dma_wait3A_412 = tpu.memref_slice %arg4[%mul3A_2, %dma_wait3A_411] : memref<204800x128xf32, #tpu.memory_space<hbm>> -> memref<128x128xf32, #tpu.memory_space<hbm>>
          %dma_wait3A_413 = arith.constant 0 : i32
          %dma_wait3A_414 = arith.constant 0 : i32
          %dma_wait3A_415 = tpu.memref_slice %arg6[%dma_wait3A_401, %dma_wait3A_413, %dma_wait3A_414] : memref<5x128x128xf32, #tpu.memory_space<vmem>> -> memref<1x128x128xf32, #tpu.memory_space<vmem>>
          %dma_wait3A_416 = tpu.memref_squeeze %dma_wait3A_415 : memref<1x128x128xf32, #tpu.memory_space<vmem>> -> memref<128x128xf32, #tpu.memory_space<vmem>>
          tpu.wait_dma2 semaphore(%dma_wait3A_410 : memref<!tpu.dma_semaphore, #tpu.memory_space<semaphore_mem>>) src(%dma_wait3A_416 : memref<128x128xf32, #tpu.memory_space<vmem>>) dst(%dma_wait3A_412 : memref<128x128xf32, #tpu.memory_space<hbm>>)
        } else {
        }
        %dma_start3A_387 = arith.constant 3 : i32
        %dma_start3A_388 = arith.constant 3 : i32
        %dma_start3A_389 = arith.constant 0 : i32
        %dma_start3A_390 = arith.constant 0 : i32
        %dma_start3A_391 = tpu.memref_slice %arg6[%dma_start3A_387, %dma_start3A_389, %dma_start3A_390] : memref<5x128x128xf32, #tpu.memory_space<vmem>> -> memref<1x128x128xf32, #tpu.memory_space<vmem>>
        %dma_start3A_392 = tpu.memref_squeeze %dma_start3A_391 : memref<1x128x128xf32, #tpu.memory_space<vmem>> -> memref<128x128xf32, #tpu.memory_space<vmem>>
        %dma_start3A_393 = arith.constant 0 : i32
        %dma_start3A_394 = tpu.memref_slice %arg5[%add3A_340, %dma_start3A_393] : memref<50x128xi32, #tpu.memory_space<vmem>> -> memref<1x128xi32, #tpu.memory_space<vmem>>
        %dma_start3A_395 = tpu.memref_squeeze %dma_start3A_394 : memref<1x128xi32, #tpu.memory_space<vmem>> -> memref<128xi32, #tpu.memory_space<vmem>>
        %dma_start3A_396 = arith.constant 0 : i32
        %dma_start3A_397 = arith.constant 0 : i32
        %dma_start3A_398 = tpu.memref_slice %arg3[%dma_start3A_396, %dma_start3A_397] : memref<100000x128xf32, #tpu.memory_space<hbm>> -> memref<100000x128xf32, #tpu.memory_space<hbm>>
        %dma_start3A_399 = tpu.memref_slice %arg7[%dma_start3A_388] : memref<5x!tpu.dma_semaphore, #tpu.memory_space<semaphore_mem>> -> memref<1x!tpu.dma_semaphore, #tpu.memory_space<semaphore_mem>>
        %dma_start3A_400 = tpu.memref_squeeze %dma_start3A_399 : memref<1x!tpu.dma_semaphore, #tpu.memory_space<semaphore_mem>> -> memref<!tpu.dma_semaphore, #tpu.memory_space<semaphore_mem>>
        tpu.enqueue_indirect_dma source(%dma_start3A_398 : memref<100000x128xf32, #tpu.memory_space<hbm>>) target(%dma_start3A_392 : memref<128x128xf32, #tpu.memory_space<vmem>>) offsets(%dma_start3A_395 : memref<128xi32, #tpu.memory_space<vmem>>) semaphore(%dma_start3A_400 : memref<!tpu.dma_semaphore, #tpu.memory_space<semaphore_mem>>)
      } else {
      }
      %dma_wait3A_346 = arith.constant 0 : i32
      %dma_wait3A_347 = arith.constant 4 : i32
      %dma_wait3A_348 = arith.constant 4 : i32
      %dma_wait3A_349 = arith.constant 0 : i32
      %dma_wait3A_350 = arith.constant 0 : i32
      %dma_wait3A_351 = tpu.memref_slice %arg6[%dma_wait3A_347, %dma_wait3A_349, %dma_wait3A_350] : memref<5x128x128xf32, #tpu.memory_space<vmem>> -> memref<1x128x128xf32, #tpu.memory_space<vmem>>
      %dma_wait3A_352 = tpu.memref_squeeze %dma_wait3A_351 : memref<1x128x128xf32, #tpu.memory_space<vmem>> -> memref<128x128xf32, #tpu.memory_space<vmem>>
      %dma_wait3A_353 = arith.constant 0 : i32
      %dma_wait3A_354 = tpu.memref_slice %arg5[%dma_wait3A_346, %dma_wait3A_353] : memref<50x128xi32, #tpu.memory_space<vmem>> -> memref<1x128xi32, #tpu.memory_space<vmem>>
      %dma_wait3A_355 = tpu.memref_squeeze %dma_wait3A_354 : memref<1x128xi32, #tpu.memory_space<vmem>> -> memref<128xi32, #tpu.memory_space<vmem>>
      %dma_wait3A_356 = arith.constant 0 : i32
      %dma_wait3A_357 = arith.constant 0 : i32
      %dma_wait3A_358 = tpu.memref_slice %arg3[%dma_wait3A_356, %dma_wait3A_357] : memref<100000x128xf32, #tpu.memory_space<hbm>> -> memref<100000x128xf32, #tpu.memory_space<hbm>>
      %dma_wait3A_359 = tpu.memref_slice %arg7[%dma_wait3A_348] : memref<5x!tpu.dma_semaphore, #tpu.memory_space<semaphore_mem>> -> memref<1x!tpu.dma_semaphore, #tpu.memory_space<semaphore_mem>>
      %dma_wait3A_360 = tpu.memref_squeeze %dma_wait3A_359 : memref<1x!tpu.dma_semaphore, #tpu.memory_space<semaphore_mem>> -> memref<!tpu.dma_semaphore, #tpu.memory_space<semaphore_mem>>
      tpu.wait_indirect_dma semaphore(%dma_wait3A_360 : memref<!tpu.dma_semaphore, #tpu.memory_space<semaphore_mem>>) src(%dma_wait3A_358 : memref<100000x128xf32, #tpu.memory_space<hbm>>) dst(%dma_wait3A_352 : memref<128x128xf32, #tpu.memory_space<vmem>>)
      %parallel_loop3A_361 = arith.constant 0 : i32
      %parallel_loop3A_362 = arith.constant 128 : i32
      %parallel_loop3A_363 = arith.constant 1 : i32
      scf.for %parallel_loop3A_383 = %parallel_loop3A_361 to %parallel_loop3A_362 step %parallel_loop3A_363  : i32 {
        %parallel_loop3A_384 = arith.constant 4 : i32
        %parallel_loop3A_385 = arith.index_cast %parallel_loop3A_384 : i32 to index
        %parallel_loop3A_386 = arith.index_cast %parallel_loop3A_383 : i32 to index
        %parallel_loop3A_387 = arith.constant 0 : index
        %parallel_loop3A_388 = tpu.vector_load %arg6[%parallel_loop3A_385, %parallel_loop3A_386, %parallel_loop3A_387] {strides = array<i32>} : memref<5x128x128xf32, #tpu.memory_space<vmem>>, vector<1x1x16xf32>,
        %parallel_loop3A_389 = vector.shape_cast %parallel_loop3A_388 : vector<1x1x16xf32> to vector<16xf32>
        %parallel_loop3A_390 = arith.constant 11.3137083 : f32
        %parallel_loop3A_391 = vector.broadcast %parallel_loop3A_390 : f32 to vector<16xf32>
        %parallel_loop3A_392 = arith.mulf %parallel_loop3A_389, %parallel_loop3A_391 : vector<16xf32>
        %parallel_loop3A_393 = arith.constant 4 : i32
        %parallel_loop3A_394 = arith.index_cast %parallel_loop3A_393 : i32 to index
        %parallel_loop3A_395 = arith.index_cast %parallel_loop3A_383 : i32 to index
        %parallel_loop3A_396 = arith.constant 0 : index
        %parallel_loop3A_397 = tpu.vector_load %arg6[%parallel_loop3A_394, %parallel_loop3A_395, %parallel_loop3A_396] {strides = array<i32>} : memref<5x128x128xf32, #tpu.memory_space<vmem>>, vector<1x1x16xf32>,
        %parallel_loop3A_398 = vector.shape_cast %parallel_loop3A_397 : vector<1x1x16xf32> to vector<16xf32>
        %parallel_loop3A_399 = vector.shape_cast %parallel_loop3A_392 : vector<16xf32> to vector<1x1x16xf32>
        tpu.vector_store %arg6[%parallel_loop3A_394, %parallel_loop3A_395, %parallel_loop3A_396], %parallel_loop3A_399 {strides = array<i32>} : memref<5x128x128xf32, #tpu.memory_space<vmem>>, vector<1x1x16xf32>,
        %parallel_loop3A_400 = arith.constant 4 : i32
        %parallel_loop3A_401 = arith.index_cast %parallel_loop3A_400 : i32 to index
        %parallel_loop3A_402 = arith.index_cast %parallel_loop3A_383 : i32 to index
        %parallel_loop3A_403 = arith.constant 16 : index
        %parallel_loop3A_404 = tpu.vector_load %arg6[%parallel_loop3A_401, %parallel_loop3A_402, %parallel_loop3A_403] {strides = array<i32>} : memref<5x128x128xf32, #tpu.memory_space<vmem>>, vector<1x1x16xf32>,
        %parallel_loop3A_405 = vector.shape_cast %parallel_loop3A_404 : vector<1x1x16xf32> to vector<16xf32>
        %parallel_loop3A_406 = arith.constant 11.3137083 : f32
        %parallel_loop3A_407 = vector.broadcast %parallel_loop3A_406 : f32 to vector<16xf32>
        %parallel_loop3A_408 = arith.mulf %parallel_loop3A_405, %parallel_loop3A_407 : vector<16xf32>
        %parallel_loop3A_409 = arith.constant 4 : i32
        %parallel_loop3A_410 = arith.index_cast %parallel_loop3A_409 : i32 to index
        %parallel_loop3A_411 = arith.index_cast %parallel_loop3A_383 : i32 to index
        %parallel_loop3A_412 = arith.constant 16 : index
        %parallel_loop3A_413 = tpu.vector_load %arg6[%parallel_loop3A_410, %parallel_loop3A_411, %parallel_loop3A_412] {strides = array<i32>} : memref<5x128x128xf32, #tpu.memory_space<vmem>>, vector<1x1x16xf32>,
        %parallel_loop3A_414 = vector.shape_cast %parallel_loop3A_413 : vector<1x1x16xf32> to vector<16xf32>
        %parallel_loop3A_415 = vector.shape_cast %parallel_loop3A_408 : vector<16xf32> to vector<1x1x16xf32>
        tpu.vector_store %arg6[%parallel_loop3A_410, %parallel_loop3A_411, %parallel_loop3A_412], %parallel_loop3A_415 {strides = array<i32>} : memref<5x128x128xf32, #tpu.memory_space<vmem>>, vector<1x1x16xf32>,
        %parallel_loop3A_416 = arith.constant 4 : i32
        %parallel_loop3A_417 = arith.index_cast %parallel_loop3A_416 : i32 to index
        %parallel_loop3A_418 = arith.index_cast %parallel_loop3A_383 : i32 to index
        %parallel_loop3A_419 = arith.constant 32 : index
        %parallel_loop3A_420 = tpu.vector_load %arg6[%parallel_loop3A_417, %parallel_loop3A_418, %parallel_loop3A_419] {strides = array<i32>} : memref<5x128x128xf32, #tpu.memory_space<vmem>>, vector<1x1x16xf32>,
        %parallel_loop3A_421 = vector.shape_cast %parallel_loop3A_420 : vector<1x1x16xf32> to vector<16xf32>
        %parallel_loop3A_422 = arith.constant 11.3137083 : f32
        %parallel_loop3A_423 = vector.broadcast %parallel_loop3A_422 : f32 to vector<16xf32>
        %parallel_loop3A_424 = arith.mulf %parallel_loop3A_421, %parallel_loop3A_423 : vector<16xf32>
        %parallel_loop3A_425 = arith.constant 4 : i32
        %parallel_loop3A_426 = arith.index_cast %parallel_loop3A_425 : i32 to index
        %parallel_loop3A_427 = arith.index_cast %parallel_loop3A_383 : i32 to index
        %parallel_loop3A_428 = arith.constant 32 : index
        %parallel_loop3A_429 = tpu.vector_load %arg6[%parallel_loop3A_426, %parallel_loop3A_427, %parallel_loop3A_428] {strides = array<i32>} : memref<5x128x128xf32, #tpu.memory_space<vmem>>, vector<1x1x16xf32>,
        %parallel_loop3A_430 = vector.shape_cast %parallel_loop3A_429 : vector<1x1x16xf32> to vector<16xf32>
        %parallel_loop3A_431 = vector.shape_cast %parallel_loop3A_424 : vector<16xf32> to vector<1x1x16xf32>
        tpu.vector_store %arg6[%parallel_loop3A_426, %parallel_loop3A_427, %parallel_loop3A_428], %parallel_loop3A_431 {strides = array<i32>} : memref<5x128x128xf32, #tpu.memory_space<vmem>>, vector<1x1x16xf32>,
        %parallel_loop3A_432 = arith.constant 4 : i32
        %parallel_loop3A_433 = arith.index_cast %parallel_loop3A_432 : i32 to index
        %parallel_loop3A_434 = arith.index_cast %parallel_loop3A_383 : i32 to index
        %parallel_loop3A_435 = arith.constant 48 : index
        %parallel_loop3A_436 = tpu.vector_load %arg6[%parallel_loop3A_433, %parallel_loop3A_434, %parallel_loop3A_435] {strides = array<i32>} : memref<5x128x128xf32, #tpu.memory_space<vmem>>, vector<1x1x16xf32>,
        %parallel_loop3A_437 = vector.shape_cast %parallel_loop3A_436 : vector<1x1x16xf32> to vector<16xf32>
        %parallel_loop3A_438 = arith.constant 11.3137083 : f32
        %parallel_loop3A_439 = vector.broadcast %parallel_loop3A_438 : f32 to vector<16xf32>
        %parallel_loop3A_440 = arith.mulf %parallel_loop3A_437, %parallel_loop3A_439 : vector<16xf32>
        %parallel_loop3A_441 = arith.constant 4 : i32
        %parallel_loop3A_442 = arith.index_cast %parallel_loop3A_441 : i32 to index
        %parallel_loop3A_443 = arith.index_cast %parallel_loop3A_383 : i32 to index
        %parallel_loop3A_444 = arith.constant 48 : index
        %parallel_loop3A_445 = tpu.vector_load %arg6[%parallel_loop3A_442, %parallel_loop3A_443, %parallel_loop3A_444] {strides = array<i32>} : memref<5x128x128xf32, #tpu.memory_space<vmem>>, vector<1x1x16xf32>,
        %parallel_loop3A_446 = vector.shape_cast %parallel_loop3A_445 : vector<1x1x16xf32> to vector<16xf32>
        %parallel_loop3A_447 = vector.shape_cast %parallel_loop3A_440 : vector<16xf32> to vector<1x1x16xf32>
        tpu.vector_store %arg6[%parallel_loop3A_442, %parallel_loop3A_443, %parallel_loop3A_444], %parallel_loop3A_447 {strides = array<i32>} : memref<5x128x128xf32, #tpu.memory_space<vmem>>, vector<1x1x16xf32>,
        %parallel_loop3A_448 = arith.constant 4 : i32
        %parallel_loop3A_449 = arith.index_cast %parallel_loop3A_448 : i32 to index
        %parallel_loop3A_450 = arith.index_cast %parallel_loop3A_383 : i32 to index
        %parallel_loop3A_451 = arith.constant 64 : index
        %parallel_loop3A_452 = tpu.vector_load %arg6[%parallel_loop3A_449, %parallel_loop3A_450, %parallel_loop3A_451] {strides = array<i32>} : memref<5x128x128xf32, #tpu.memory_space<vmem>>, vector<1x1x16xf32>,
        %parallel_loop3A_453 = vector.shape_cast %parallel_loop3A_452 : vector<1x1x16xf32> to vector<16xf32>
        %parallel_loop3A_454 = arith.constant 11.3137083 : f32
        %parallel_loop3A_455 = vector.broadcast %parallel_loop3A_454 : f32 to vector<16xf32>
        %parallel_loop3A_456 = arith.mulf %parallel_loop3A_453, %parallel_loop3A_455 : vector<16xf32>
        %parallel_loop3A_457 = arith.constant 4 : i32
        %parallel_loop3A_458 = arith.index_cast %parallel_loop3A_457 : i32 to index
        %parallel_loop3A_459 = arith.index_cast %parallel_loop3A_383 : i32 to index
        %parallel_loop3A_460 = arith.constant 64 : index
        %parallel_loop3A_461 = tpu.vector_load %arg6[%parallel_loop3A_458, %parallel_loop3A_459, %parallel_loop3A_460] {strides = array<i32>} : memref<5x128x128xf32, #tpu.memory_space<vmem>>, vector<1x1x16xf32>,
        %parallel_loop3A_462 = vector.shape_cast %parallel_loop3A_461 : vector<1x1x16xf32> to vector<16xf32>
        %parallel_loop3A_463 = vector.shape_cast %parallel_loop3A_456 : vector<16xf32> to vector<1x1x16xf32>
        tpu.vector_store %arg6[%parallel_loop3A_458, %parallel_loop3A_459, %parallel_loop3A_460], %parallel_loop3A_463 {strides = array<i32>} : memref<5x128x128xf32, #tpu.memory_space<vmem>>, vector<1x1x16xf32>,
        %parallel_loop3A_464 = arith.constant 4 : i32
        %parallel_loop3A_465 = arith.index_cast %parallel_loop3A_464 : i32 to index
        %parallel_loop3A_466 = arith.index_cast %parallel_loop3A_383 : i32 to index
        %parallel_loop3A_467 = arith.constant 80 : index
        %parallel_loop3A_468 = tpu.vector_load %arg6[%parallel_loop3A_465, %parallel_loop3A_466, %parallel_loop3A_467] {strides = array<i32>} : memref<5x128x128xf32, #tpu.memory_space<vmem>>, vector<1x1x16xf32>,
        %parallel_loop3A_469 = vector.shape_cast %parallel_loop3A_468 : vector<1x1x16xf32> to vector<16xf32>
        %parallel_loop3A_470 = arith.constant 11.3137083 : f32
        %parallel_loop3A_471 = vector.broadcast %parallel_loop3A_470 : f32 to vector<16xf32>
        %parallel_loop3A_472 = arith.mulf %parallel_loop3A_469, %parallel_loop3A_471 : vector<16xf32>
        %parallel_loop3A_473 = arith.constant 4 : i32
        %parallel_loop3A_474 = arith.index_cast %parallel_loop3A_473 : i32 to index
        %parallel_loop3A_475 = arith.index_cast %parallel_loop3A_383 : i32 to index
        %parallel_loop3A_476 = arith.constant 80 : index
        %parallel_loop3A_477 = tpu.vector_load %arg6[%parallel_loop3A_474, %parallel_loop3A_475, %parallel_loop3A_476] {strides = array<i32>} : memref<5x128x128xf32, #tpu.memory_space<vmem>>, vector<1x1x16xf32>,
        %parallel_loop3A_478 = vector.shape_cast %parallel_loop3A_477 : vector<1x1x16xf32> to vector<16xf32>
        %parallel_loop3A_479 = vector.shape_cast %parallel_loop3A_472 : vector<16xf32> to vector<1x1x16xf32>
        tpu.vector_store %arg6[%parallel_loop3A_474, %parallel_loop3A_475, %parallel_loop3A_476], %parallel_loop3A_479 {strides = array<i32>} : memref<5x128x128xf32, #tpu.memory_space<vmem>>, vector<1x1x16xf32>,
        %parallel_loop3A_480 = arith.constant 4 : i32
        %parallel_loop3A_481 = arith.index_cast %parallel_loop3A_480 : i32 to index
        %parallel_loop3A_482 = arith.index_cast %parallel_loop3A_383 : i32 to index
        %parallel_loop3A_483 = arith.constant 96 : index
        %parallel_loop3A_484 = tpu.vector_load %arg6[%parallel_loop3A_481, %parallel_loop3A_482, %parallel_loop3A_483] {strides = array<i32>} : memref<5x128x128xf32, #tpu.memory_space<vmem>>, vector<1x1x16xf32>,
        %parallel_loop3A_485 = vector.shape_cast %parallel_loop3A_484 : vector<1x1x16xf32> to vector<16xf32>
        %parallel_loop3A_486 = arith.constant 11.3137083 : f32
        %parallel_loop3A_487 = vector.broadcast %parallel_loop3A_486 : f32 to vector<16xf32>
        %parallel_loop3A_488 = arith.mulf %parallel_loop3A_485, %parallel_loop3A_487 : vector<16xf32>
        %parallel_loop3A_489 = arith.constant 4 : i32
        %parallel_loop3A_490 = arith.index_cast %parallel_loop3A_489 : i32 to index
        %parallel_loop3A_491 = arith.index_cast %parallel_loop3A_383 : i32 to index
        %parallel_loop3A_492 = arith.constant 96 : index
        %parallel_loop3A_493 = tpu.vector_load %arg6[%parallel_loop3A_490, %parallel_loop3A_491, %parallel_loop3A_492] {strides = array<i32>} : memref<5x128x128xf32, #tpu.memory_space<vmem>>, vector<1x1x16xf32>,
        %parallel_loop3A_494 = vector.shape_cast %parallel_loop3A_493 : vector<1x1x16xf32> to vector<16xf32>
        %parallel_loop3A_495 = vector.shape_cast %parallel_loop3A_488 : vector<16xf32> to vector<1x1x16xf32>
        tpu.vector_store %arg6[%parallel_loop3A_490, %parallel_loop3A_491, %parallel_loop3A_492], %parallel_loop3A_495 {strides = array<i32>} : memref<5x128x128xf32, #tpu.memory_space<vmem>>, vector<1x1x16xf32>,
        %parallel_loop3A_496 = arith.constant 4 : i32
        %parallel_loop3A_497 = arith.index_cast %parallel_loop3A_496 : i32 to index
        %parallel_loop3A_498 = arith.index_cast %parallel_loop3A_383 : i32 to index
        %parallel_loop3A_499 = arith.constant 112 : index
        %parallel_loop3A_500 = tpu.vector_load %arg6[%parallel_loop3A_497, %parallel_loop3A_498, %parallel_loop3A_499] {strides = array<i32>} : memref<5x128x128xf32, #tpu.memory_space<vmem>>, vector<1x1x16xf32>,
        %parallel_loop3A_501 = vector.shape_cast %parallel_loop3A_500 : vector<1x1x16xf32> to vector<16xf32>
        %parallel_loop3A_502 = arith.constant 11.3137083 : f32
        %parallel_loop3A_503 = vector.broadcast %parallel_loop3A_502 : f32 to vector<16xf32>
        %parallel_loop3A_504 = arith.mulf %parallel_loop3A_501, %parallel_loop3A_503 : vector<16xf32>
        %parallel_loop3A_505 = arith.constant 4 : i32
        %parallel_loop3A_506 = arith.index_cast %parallel_loop3A_505 : i32 to index
        %parallel_loop3A_507 = arith.index_cast %parallel_loop3A_383 : i32 to index
        %parallel_loop3A_508 = arith.constant 112 : index
        %parallel_loop3A_509 = tpu.vector_load %arg6[%parallel_loop3A_506, %parallel_loop3A_507, %parallel_loop3A_508] {strides = array<i32>} : memref<5x128x128xf32, #tpu.memory_space<vmem>>, vector<1x1x16xf32>,
        %parallel_loop3A_510 = vector.shape_cast %parallel_loop3A_509 : vector<1x1x16xf32> to vector<16xf32>
        %parallel_loop3A_511 = vector.shape_cast %parallel_loop3A_504 : vector<16xf32> to vector<1x1x16xf32>
        tpu.vector_store %arg6[%parallel_loop3A_506, %parallel_loop3A_507, %parallel_loop3A_508], %parallel_loop3A_511 {strides = array<i32>} : memref<5x128x128xf32, #tpu.memory_space<vmem>>, vector<1x1x16xf32>,
      } {sc.loop_unroll_factor = 4 : i64, sc.parallel_access}
      %mul3A_364 = arith.constant 4096 : i32
      %mul3A_365 = arith.muli %add3A_338, %mul3A_364 : i32
      %add3A_366 = arith.addi %mul3A_365, %mul3A_2 : i32
      %dma_start3A_367 = arith.constant 4 : i32
      %dma_start3A_368 = arith.constant 4 : i32
      %dma_start3A_369 = arith.constant 0 : i32
      %dma_start3A_370 = arith.constant 0 : i32
      %dma_start3A_371 = tpu.memref_slice %arg6[%dma_start3A_367, %dma_start3A_369, %dma_start3A_370] : memref<5x128x128xf32, #tpu.memory_space<vmem>> -> memref<1x128x128xf32, #tpu.memory_space<vmem>>
      %dma_start3A_372 = tpu.memref_squeeze %dma_start3A_371 : memref<1x128x128xf32, #tpu.memory_space<vmem>> -> memref<128x128xf32, #tpu.memory_space<vmem>>
      %dma_start3A_373 = arith.constant 0 : i32
      %dma_start3A_374 = tpu.memref_slice %arg4[%add3A_366, %dma_start3A_373] : memref<204800x128xf32, #tpu.memory_space<hbm>> -> memref<128x128xf32, #tpu.memory_space<hbm>>
      %dma_start3A_375 = tpu.memref_slice %arg8[%dma_start3A_368] : memref<5x!tpu.dma_semaphore, #tpu.memory_space<semaphore_mem>> -> memref<1x!tpu.dma_semaphore, #tpu.memory_space<semaphore_mem>>
      %dma_start3A_376 = tpu.memref_squeeze %dma_start3A_375 : memref<1x!tpu.dma_semaphore, #tpu.memory_space<semaphore_mem>> -> memref<!tpu.dma_semaphore, #tpu.memory_space<semaphore_mem>>
      %dma_start3A_377 = arith.constant 0 : i32
      %dma_start3A_378 = tpu.memref_slice %arg4[%add3A_366, %dma_start3A_377] : memref<204800x128xf32, #tpu.memory_space<hbm>> -> memref<128x128xf32, #tpu.memory_space<hbm>>
      %dma_start3A_379 = arith.constant 0 : i32
      %dma_start3A_380 = arith.constant 0 : i32
      %dma_start3A_381 = tpu.memref_slice %arg6[%dma_start3A_367, %dma_start3A_379, %dma_start3A_380] : memref<5x128x128xf32, #tpu.memory_space<vmem>> -> memref<1x128x128xf32, #tpu.memory_space<vmem>>
      %dma_start3A_382 = tpu.memref_squeeze %dma_start3A_381 : memref<1x128x128xf32, #tpu.memory_space<vmem>> -> memref<128x128xf32, #tpu.memory_space<vmem>>
      tpu.enqueue_dma source(%dma_start3A_382 : memref<128x128xf32, #tpu.memory_space<vmem>>) target(%dma_start3A_378 : memref<128x128xf32, #tpu.memory_space<hbm>>) target_semaphore(%dma_start3A_376 : memref<!tpu.dma_semaphore, #tpu.memory_space<semaphore_mem>>)
    }
    %scan3A_66 = arith.constant 10 : i32
    %dma_wait3A = arith.constant 0 : i32
    %dma_wait3A_67 = arith.constant 0 : i32
    %dma_wait3A_68 = arith.constant 0 : i32
    %dma_wait3A_69 = arith.constant 0 : i32
    %dma_wait3A_70 = tpu.memref_slice %arg6[%dma_wait3A, %dma_wait3A_68, %dma_wait3A_69] : memref<5x128x128xf32, #tpu.memory_space<vmem>> -> memref<1x128x128xf32, #tpu.memory_space<vmem>>
    %dma_wait3A_71 = tpu.memref_squeeze %dma_wait3A_70 : memref<1x128x128xf32, #tpu.memory_space<vmem>> -> memref<128x128xf32, #tpu.memory_space<vmem>>
    %dma_wait3A_72 = arith.constant 0 : i32
    %dma_wait3A_73 = tpu.memref_slice %arg4[%mul3A_2, %dma_wait3A_72] : memref<204800x128xf32, #tpu.memory_space<hbm>> -> memref<128x128xf32, #tpu.memory_space<hbm>>
    %dma_wait3A_74 = tpu.memref_slice %arg8[%dma_wait3A_67] : memref<5x!tpu.dma_semaphore, #tpu.memory_space<semaphore_mem>> -> memref<1x!tpu.dma_semaphore, #tpu.memory_space<semaphore_mem>>
    %dma_wait3A_75 = tpu.memref_squeeze %dma_wait3A_74 : memref<1x!tpu.dma_semaphore, #tpu.memory_space<semaphore_mem>> -> memref<!tpu.dma_semaphore, #tpu.memory_space<semaphore_mem>>
    %dma_wait3A_76 = arith.constant 0 : i32
    %dma_wait3A_77 = tpu.memref_slice %arg4[%mul3A_2, %dma_wait3A_76] : memref<204800x128xf32, #tpu.memory_space<hbm>> -> memref<128x128xf32, #tpu.memory_space<hbm>>
    %dma_wait3A_78 = arith.constant 0 : i32
    %dma_wait3A_79 = arith.constant 0 : i32
    %dma_wait3A_80 = tpu.memref_slice %arg6[%dma_wait3A, %dma_wait3A_78, %dma_wait3A_79] : memref<5x128x128xf32, #tpu.memory_space<vmem>> -> memref<1x128x128xf32, #tpu.memory_space<vmem>>
    %dma_wait3A_81 = tpu.memref_squeeze %dma_wait3A_80 : memref<1x128x128xf32, #tpu.memory_space<vmem>> -> memref<128x128xf32, #tpu.memory_space<vmem>>
    tpu.wait_dma2 semaphore(%dma_wait3A_75 : memref<!tpu.dma_semaphore, #tpu.memory_space<semaphore_mem>>) src(%dma_wait3A_81 : memref<128x128xf32, #tpu.memory_space<vmem>>) dst(%dma_wait3A_77 : memref<128x128xf32, #tpu.memory_space<hbm>>)
    %dma_wait3A_82 = arith.constant 1 : i32
    %dma_wait3A_83 = arith.constant 1 : i32
    %dma_wait3A_84 = arith.constant 0 : i32
    %dma_wait3A_85 = arith.constant 0 : i32
    %dma_wait3A_86 = tpu.memref_slice %arg6[%dma_wait3A_82, %dma_wait3A_84, %dma_wait3A_85] : memref<5x128x128xf32, #tpu.memory_space<vmem>> -> memref<1x128x128xf32, #tpu.memory_space<vmem>>
    %dma_wait3A_87 = tpu.memref_squeeze %dma_wait3A_86 : memref<1x128x128xf32, #tpu.memory_space<vmem>> -> memref<128x128xf32, #tpu.memory_space<vmem>>
    %dma_wait3A_88 = arith.constant 0 : i32
    %dma_wait3A_89 = tpu.memref_slice %arg4[%mul3A_2, %dma_wait3A_88] : memref<204800x128xf32, #tpu.memory_space<hbm>> -> memref<128x128xf32, #tpu.memory_space<hbm>>
    %dma_wait3A_90 = tpu.memref_slice %arg8[%dma_wait3A_83] : memref<5x!tpu.dma_semaphore, #tpu.memory_space<semaphore_mem>> -> memref<1x!tpu.dma_semaphore, #tpu.memory_space<semaphore_mem>>
    %dma_wait3A_91 = tpu.memref_squeeze %dma_wait3A_90 : memref<1x!tpu.dma_semaphore, #tpu.memory_space<semaphore_mem>> -> memref<!tpu.dma_semaphore, #tpu.memory_space<semaphore_mem>>
    %dma_wait3A_92 = arith.constant 0 : i32
    %dma_wait3A_93 = tpu.memref_slice %arg4[%mul3A_2, %dma_wait3A_92] : memref<204800x128xf32, #tpu.memory_space<hbm>> -> memref<128x128xf32, #tpu.memory_space<hbm>>
    %dma_wait3A_94 = arith.constant 0 : i32
    %dma_wait3A_95 = arith.constant 0 : i32
    %dma_wait3A_96 = tpu.memref_slice %arg6[%dma_wait3A_82, %dma_wait3A_94, %dma_wait3A_95] : memref<5x128x128xf32, #tpu.memory_space<vmem>> -> memref<1x128x128xf32, #tpu.memory_space<vmem>>
    %dma_wait3A_97 = tpu.memref_squeeze %dma_wait3A_96 : memref<1x128x128xf32, #tpu.memory_space<vmem>> -> memref<128x128xf32, #tpu.memory_space<vmem>>
    tpu.wait_dma2 semaphore(%dma_wait3A_91 : memref<!tpu.dma_semaphore, #tpu.memory_space<semaphore_mem>>) src(%dma_wait3A_97 : memref<128x128xf32, #tpu.memory_space<vmem>>) dst(%dma_wait3A_93 : memref<128x128xf32, #tpu.memory_space<hbm>>)
    %dma_wait3A_98 = arith.constant 2 : i32
    %dma_wait3A_99 = arith.constant 2 : i32
    %dma_wait3A_100 = arith.constant 0 : i32
    %dma_wait3A_101 = arith.constant 0 : i32
    %dma_wait3A_102 = tpu.memref_slice %arg6[%dma_wait3A_98, %dma_wait3A_100, %dma_wait3A_101] : memref<5x128x128xf32, #tpu.memory_space<vmem>> -> memref<1x128x128xf32, #tpu.memory_space<vmem>>
    %dma_wait3A_103 = tpu.memref_squeeze %dma_wait3A_102 : memref<1x128x128xf32, #tpu.memory_space<vmem>> -> memref<128x128xf32, #tpu.memory_space<vmem>>
    %dma_wait3A_104 = arith.constant 0 : i32
    %dma_wait3A_105 = tpu.memref_slice %arg4[%mul3A_2, %dma_wait3A_104] : memref<204800x128xf32, #tpu.memory_space<hbm>> -> memref<128x128xf32, #tpu.memory_space<hbm>>
    %dma_wait3A_106 = tpu.memref_slice %arg8[%dma_wait3A_99] : memref<5x!tpu.dma_semaphore, #tpu.memory_space<semaphore_mem>> -> memref<1x!tpu.dma_semaphore, #tpu.memory_space<semaphore_mem>>
    %dma_wait3A_107 = tpu.memref_squeeze %dma_wait3A_106 : memref<1x!tpu.dma_semaphore, #tpu.memory_space<semaphore_mem>> -> memref<!tpu.dma_semaphore, #tpu.memory_space<semaphore_mem>>
    %dma_wait3A_108 = arith.constant 0 : i32
    %dma_wait3A_109 = tpu.memref_slice %arg4[%mul3A_2, %dma_wait3A_108] : memref<204800x128xf32, #tpu.memory_space<hbm>> -> memref<128x128xf32, #tpu.memory_space<hbm>>
    %dma_wait3A_110 = arith.constant 0 : i32
    %dma_wait3A_111 = arith.constant 0 : i32
    %dma_wait3A_112 = tpu.memref_slice %arg6[%dma_wait3A_98, %dma_wait3A_110, %dma_wait3A_111] : memref<5x128x128xf32, #tpu.memory_space<vmem>> -> memref<1x128x128xf32, #tpu.memory_space<vmem>>
    %dma_wait3A_113 = tpu.memref_squeeze %dma_wait3A_112 : memref<1x128x128xf32, #tpu.memory_space<vmem>> -> memref<128x128xf32, #tpu.memory_space<vmem>>
    tpu.wait_dma2 semaphore(%dma_wait3A_107 : memref<!tpu.dma_semaphore, #tpu.memory_space<semaphore_mem>>) src(%dma_wait3A_113 : memref<128x128xf32, #tpu.memory_space<vmem>>) dst(%dma_wait3A_109 : memref<128x128xf32, #tpu.memory_space<hbm>>)
    %dma_wait3A_114 = arith.constant 3 : i32
    %dma_wait3A_115 = arith.constant 3 : i32
    %dma_wait3A_116 = arith.constant 0 : i32
    %dma_wait3A_117 = arith.constant 0 : i32
    %dma_wait3A_118 = tpu.memref_slice %arg6[%dma_wait3A_114, %dma_wait3A_116, %dma_wait3A_117] : memref<5x128x128xf32, #tpu.memory_space<vmem>> -> memref<1x128x128xf32, #tpu.memory_space<vmem>>
    %dma_wait3A_119 = tpu.memref_squeeze %dma_wait3A_118 : memref<1x128x128xf32, #tpu.memory_space<vmem>> -> memref<128x128xf32, #tpu.memory_space<vmem>>
    %dma_wait3A_120 = arith.constant 0 : i32
    %dma_wait3A_121 = tpu.memref_slice %arg4[%mul3A_2, %dma_wait3A_120] : memref<204800x128xf32, #tpu.memory_space<hbm>> -> memref<128x128xf32, #tpu.memory_space<hbm>>
    %dma_wait3A_122 = tpu.memref_slice %arg8[%dma_wait3A_115] : memref<5x!tpu.dma_semaphore, #tpu.memory_space<semaphore_mem>> -> memref<1x!tpu.dma_semaphore, #tpu.memory_space<semaphore_mem>>
    %dma_wait3A_123 = tpu.memref_squeeze %dma_wait3A_122 : memref<1x!tpu.dma_semaphore, #tpu.memory_space<semaphore_mem>> -> memref<!tpu.dma_semaphore, #tpu.memory_space<semaphore_mem>>
    %dma_wait3A_124 = arith.constant 0 : i32
    %dma_wait3A_125 = tpu.memref_slice %arg4[%mul3A_2, %dma_wait3A_124] : memref<204800x128xf32, #tpu.memory_space<hbm>> -> memref<128x128xf32, #tpu.memory_space<hbm>>
    %dma_wait3A_126 = arith.constant 0 : i32
    %dma_wait3A_127 = arith.constant 0 : i32
    %dma_wait3A_128 = tpu.memref_slice %arg6[%dma_wait3A_114, %dma_wait3A_126, %dma_wait3A_127] : memref<5x128x128xf32, #tpu.memory_space<vmem>> -> memref<1x128x128xf32, #tpu.memory_space<vmem>>
    %dma_wait3A_129 = tpu.memref_squeeze %dma_wait3A_128 : memref<1x128x128xf32, #tpu.memory_space<vmem>> -> memref<128x128xf32, #tpu.memory_space<vmem>>
    tpu.wait_dma2 semaphore(%dma_wait3A_123 : memref<!tpu.dma_semaphore, #tpu.memory_space<semaphore_mem>>) src(%dma_wait3A_129 : memref<128x128xf32, #tpu.memory_space<vmem>>) dst(%dma_wait3A_125 : memref<128x128xf32, #tpu.memory_space<hbm>>)
    %dma_wait3A_130 = arith.constant 4 : i32
    %dma_wait3A_131 = arith.constant 4 : i32
    %dma_wait3A_132 = arith.constant 0 : i32
    %dma_wait3A_133 = arith.constant 0 : i32
    %dma_wait3A_134 = tpu.memref_slice %arg6[%dma_wait3A_130, %dma_wait3A_132, %dma_wait3A_133] : memref<5x128x128xf32, #tpu.memory_space<vmem>> -> memref<1x128x128xf32, #tpu.memory_space<vmem>>
    %dma_wait3A_135 = tpu.memref_squeeze %dma_wait3A_134 : memref<1x128x128xf32, #tpu.memory_space<vmem>> -> memref<128x128xf32, #tpu.memory_space<vmem>>
    %dma_wait3A_136 = arith.constant 0 : i32
    %dma_wait3A_137 = tpu.memref_slice %arg4[%mul3A_2, %dma_wait3A_136] : memref<204800x128xf32, #tpu.memory_space<hbm>> -> memref<128x128xf32, #tpu.memory_space<hbm>>
    %dma_wait3A_138 = tpu.memref_slice %arg8[%dma_wait3A_131] : memref<5x!tpu.dma_semaphore, #tpu.memory_space<semaphore_mem>> -> memref<1x!tpu.dma_semaphore, #tpu.memory_space<semaphore_mem>>
    %dma_wait3A_139 = tpu.memref_squeeze %dma_wait3A_138 : memref<1x!tpu.dma_semaphore, #tpu.memory_space<semaphore_mem>> -> memref<!tpu.dma_semaphore, #tpu.memory_space<semaphore_mem>>
    %dma_wait3A_140 = arith.constant 0 : i32
    %dma_wait3A_141 = tpu.memref_slice %arg4[%mul3A_2, %dma_wait3A_140] : memref<204800x128xf32, #tpu.memory_space<hbm>> -> memref<128x128xf32, #tpu.memory_space<hbm>>
    %dma_wait3A_142 = arith.constant 0 : i32
    %dma_wait3A_143 = arith.constant 0 : i32
    %dma_wait3A_144 = tpu.memref_slice %arg6[%dma_wait3A_130, %dma_wait3A_142, %dma_wait3A_143] : memref<5x128x128xf32, #tpu.memory_space<vmem>> -> memref<1x128x128xf32, #tpu.memory_space<vmem>>
    %dma_wait3A_145 = tpu.memref_squeeze %dma_wait3A_144 : memref<1x128x128xf32, #tpu.memory_space<vmem>> -> memref<128x128xf32, #tpu.memory_space<vmem>>
    tpu.wait_dma2 semaphore(%dma_wait3A_139 : memref<!tpu.dma_semaphore, #tpu.memory_space<semaphore_mem>>) src(%dma_wait3A_145 : memref<128x128xf32, #tpu.memory_space<vmem>>) dst(%dma_wait3A_141 : memref<128x128xf32, #tpu.memory_space<hbm>>)
    return
  }
}

</mosaic_0001>

<sc_bundles>
// kernel: kernel.3.cloned.1.call-start
scs
__scs_entry_jumppad:
0x0: {  	(pc) =	sbr.rel $0x88, $3  }
0x1: {  	(tag) =	ssettag $0x0;
	lr =	simm.s32 $0x1  }
0x2: {  	[smem:$0x3F9F] =	sst lr;
	_ =	strace $0xD0000000  }
0x3: {  	_ = 	snop  }
0x4: {  	_ = 	snop  }
0x5: {  	_ = 	snop  }
0x6: {  	_ = 	snop  }
0x7: {  	_ = 	snop  }
__scs_overlays_trampoline_lowered:
0x8: {  	[smem:$0x3FAE] =	sst s0  }
0x9: {  	[smem:$0x3FAF] =	sst s1  }
0xa: {  	[smem:$0x3FB0] =	sst s2  }
0xb: {  	[smem:$0x3FB1] =	sst s3  }
0xc: {  	[smem:$0x3FB2] =	sst s4  }
0xd: {  	[smem:$0x3FB3] =	sst s5  }
0xe: {  	[smem:$0x3FB4] =	sst s6  }
0xf: {  	[smem:$0x3FB5] =	sst s7  }
0x10: {  	[smem:$0x3FB6] =	sst s8  }
0x11: {  	[smem:$0x3FB7] =	sst s9;
	s0 =	simm.s32 @!p0 $0x0  }
0x12: {  	s1 =	sld [smem:$0x3F9D];
	s0 =	simm.s32 @p0 $0x1  }
0x13: {  	[smem:$0x3FB8] =	sst s0;
	s0 =	simm.s32 @!p1 $0x0  }
0x14: {  	s2 =	sld [smem:$0x3F9C];
	s0 =	simm.s32 @p1 $0x1  }
0x15: {  	[smem:$0x3FB9] =	sst s0;
	s0 =	simm.s32 @!p2 $0x0  }
0x16: {  	s3 =	sld [smem:$0x3FDB];
	s0 =	simm.s32 @p2 $0x1  }
0x17: {  	s4 =	simm.s32 $0x1BF5;
	[smem:$0x3FBB] =	sst s0  }
0x18: {  	s0 =	sld [smem:$0x3F9E];
	_ =	swait.ge [sflag:s4], $0x0  }
0x19: {  	s7 =	sld [smem:$0x3F9F]  }
0x1a: {  	s8 =	sadd.s32 $0xFFFFE003, lr  }
0x1b: {  	s9 =	sadd.s32 $0xFFFFFEF7, lr;
	s5 =	simm.s32 $0xFFFFFFFF;
	p2 =	slt.u32 s8, $0xFFFFF086  }
0x1c: {  	p1 =	slt.u32 s9, $0xF7A;
	s5 =	simm.s32 @!p2 $0x0  }
0x1d: {  	s5 =	simm.s32 @p1 $0x1;
	p0 =	seq.s32 s7, s2  }
0x1e: {  	s7 =	smul.u32 @!p0 $0xF7A, s2;
	p2 =	seq.s32 @!p0 s5, $0x0  }
0x1f: {  	s9 =	smul.u32 $0xF7A, s1;
	s8 =	simm.s32 @!p0 $0x1BF5;
	p2 =	por !p2, p0  }
0x20: {  	[sflag:s8] =	ssyncset.s32 @!p0 $0xFFFFF086;
	s6 =	sadd.s32 @!p0 s3, s7;
	s7 =	simm.s32 @!p0 $0x108  }
0x21: {  	s3 =	sadd.s32 s3, s9;
	s6 =	sadd.s32 @!p0 $0x88, s6;
	s7 =	simm.s32 @p2 $0x1082  }
0x22: {  	[simem:s7], [sflag:s8] =	dma.local @!p0 [hbm:s6], $0xF7A  }
0x23: {  	s9 =	sor.u32 $0xD0000000, s2;
	s6 =	simm.s32 $0x108;
	_ =	swait.ge @!p0 [sflag:s8], $0x0  }
0x24: {  	s3 =	sadd.s32 $0x88, s3;
	s6 =	simm.s32 @!p1 $0x1082;
	[sflag:s4] =	ssyncset.s32 $0xFFFFF086  }
0x25: {  	[simem:s6], [sflag:s4] =	dma.local [hbm:s3], $0xF7A  }
0x26: {  	[smem:$0x3F9F] =	sst s1;
	(tag) =	ssettag s2;
	_ =	strace s9  }
0x27: {  	s1 =	sld [smem:$0x3FAF]  }
0x28: {  	s2 =	sld [smem:$0x3FB0]  }
0x29: {  	s4 =	sld [smem:$0x3FB2]  }
0x2a: {  	p0 =	seq.s32 s5, $0x0;
	s5 =	sld [smem:$0x3FB3]  }
0x2b: {  	s6 =	sld [smem:$0x3FB4]  }
0x2c: {  	s7 =	sld [smem:$0x3FB5]  }
0x2d: {  	s3 =	simm.s32 $0x108;
	s8 =	sld [smem:$0x3FB6]  }
0x2e: {  	s3 =	simm.s32 @!p0 $0x1082;
	s9 =	sld [smem:$0x3FB7]  }
0x2f: {  	lr =	sadd.s32 s0, s3;
	s0 =	sld [smem:$0x3FAE]  }
0x30: {  	s3 =	sld [smem:$0x3FB1]  }
0x31: {  	[smem:$0x3FBA] =	sst s10  }
0x32: {  	s10 =	sld [smem:$0x3FB8];
	_ =	sdelay $0x3  }
0x33: {  	p0 =	seq.s32 s10, $0x1;
	s10 =	sld [smem:$0x3FBA];
	_ =	sdelay $0x3  }
0x34: {  	[smem:$0x3FBA] =	sst s10  }
0x35: {  	s10 =	sld [smem:$0x3FB9];
	_ =	sdelay $0x3  }
0x36: {  	p1 =	seq.s32 s10, $0x1;
	s10 =	sld [smem:$0x3FBA];
	_ =	sdelay $0x3  }
0x37: {  	[smem:$0x3FBA] =	sst s10  }
0x38: {  	s10 =	sld [smem:$0x3FBB]  }
0x39: {  	_ = 	snop;
	(pc) =	sbr.ind lr, $3  }
0x3a: {  	_ = 	snop  }
0x3b: {  	_ = 	snop  }
0x3c: {  	p2 =	seq.s32 s10, $0x1;
	s10 =	sld [smem:$0x3FBA]  }
0x3d: {  	_ =	shalt  }
0x3e: {  	_ =	shalt  }
0x3f: {  	_ =	shalt  }
0x40: {  	_ =	shalt  }
0x41: {  	_ =	shalt  }
0x42: {  	_ =	shalt  }
0x43: {  	_ =	shalt  }
0x44: {  	_ =	shalt  }
0x45: {  	_ =	shalt  }
0x46: {  	_ =	shalt  }
0x47: {  	_ =	shalt  }
0x48: {  	_ =	shalt  }
0x49: {  	_ =	shalt  }
0x4a: {  	_ =	shalt  }
0x4b: {  	_ =	shalt  }
0x4c: {  	_ =	shalt  }
0x4d: {  	_ =	shalt  }
0x4e: {  	_ =	shalt  }
0x4f: {  	_ =	shalt  }
0x50: {  	_ =	shalt  }
0x51: {  	_ =	shalt  }
0x52: {  	_ =	shalt  }
0x53: {  	_ =	shalt  }
0x54: {  	_ =	shalt  }
0x55: {  	_ =	shalt  }
0x56: {  	_ =	shalt  }
0x57: {  	_ =	shalt  }
0x58: {  	_ =	shalt  }
0x59: {  	_ =	shalt  }
0x5a: {  	_ =	shalt  }
0x5b: {  	_ =	shalt  }
0x5c: {  	_ =	shalt  }
0x5d: {  	_ =	shalt  }
0x5e: {  	_ =	shalt  }
0x5f: {  	_ =	shalt  }
0x60: {  	_ =	shalt  }
0x61: {  	_ =	shalt  }
0x62: {  	_ =	shalt  }
0x63: {  	_ =	shalt  }
0x64: {  	_ =	shalt  }
0x65: {  	_ =	shalt  }
0x66: {  	_ =	shalt  }
0x67: {  	_ =	shalt  }
0x68: {  	_ =	shalt  }
0x69: {  	_ =	shalt  }
0x6a: {  	_ =	shalt  }
0x6b: {  	_ =	shalt  }
0x6c: {  	_ =	shalt  }
0x6d: {  	_ =	shalt  }
0x6e: {  	_ =	shalt  }
0x6f: {  	_ =	shalt  }
0x70: {  	_ =	shalt  }
0x71: {  	_ =	shalt  }
0x72: {  	_ =	shalt  }
0x73: {  	_ =	shalt  }
0x74: {  	_ =	shalt  }
0x75: {  	_ =	shalt  }
0x76: {  	_ =	shalt  }
0x77: {  	_ =	shalt  }
0x78: {  	_ =	shalt  }
0x79: {  	_ =	shalt  }
0x7a: {  	_ =	shalt  }
0x7b: {  	_ =	shalt  }
0x7c: {  	_ =	shalt  }
0x7d: {  	_ =	shalt  }
0x7e: {  	_ =	shalt  }
0x7f: {  	_ =	shalt  }
0x80: {  	_ =	shalt  }
0x81: {  	_ =	shalt  }
0x82: {  	_ =	shalt  }
0x83: {  	_ =	shalt  }
0x84: {  	_ =	shalt  }
0x85: {  	_ =	shalt  }
0x86: {  	_ =	shalt  }
0x87: {  	_ =	shalt  }
.Lfunc_end0:
.L_simem_size_0:
called_computation_lowered:
.L_overlay_start_0:
0x88: {  	s2 =	sld [smem:$0x3FD9]  }
0x89: {  	s3 =	sld [smem:$0x3FFE];
	_ =	sdelay $0x1  }
0x8a: {  	s1 =	srdreg.scid  }
0x8b: {  	s0 =	sand.u32 $0x1, s1  }
0x8c: {  	s18 =	sshll.u32 s0, $0xA;
	s2 =	sadd.s32 s3, s2  }
0x8d: {  	s2 =	sadd.s32 s2, s18  }
0x8e: {  	[smem:$0x3FC6] =	sst s2  }
0x8f: {  	_ = 	snop  }
0x90: {  	s2 =	sld [smem:$0x3FC9]  }
0x91: {  	s19 =	sld [smem:$0x3FC8]  }
0x92: {  	s4 =	sld [smem:$0x3FD0];
	(tm) =	ssettm $0x1  }
0x93: {  	s5 =	sld [smem:$0x3FFB];
	_ =	sdelay $0x3  }
0x94: {  	_ =	strace s5  }
0x95: {  	s5 =	sld [smem:$0x3FFC];
	_ =	sdelay $0x3  }
0x96: {  	_ =	strace s5  }
0x97: {  	s5 =	sld [smem:$0x3FFD];
	_ =	sdelay $0x3  }
0x98: {  	_ =	strace s5  }
0x99: {  	_ =	strace $0x8FFFFFFF  }
0x9a: {  	s20 =	sld [smem:$0x3FDB];
	_ =	sdelay $0x1  }
0x9b: {  	s6 =	simm.s32 $_scs_section_size  }
0x9c: {  	s7 =	simm.s32 $_size__tile_overlayer_lowered;
	s8 =	simm.s32 $_tile_overlayer_lowered  }
0x9d: {  	s23 =	simm.s32 $0x1BFF;
	s22 =	sshll.u32 s8, $0x1;
	s5 =	sadd.s32 s6, s20  }
0x9e: {  	s9 =	simm.s32 $0x0;
	s21 =	sshll.u32 s7, $0x1;
	s7 =	sadd.s32 s22, s5  }
0x9f: {  	[timem:s9], [sflag:s23] =	dma.local [hbm:s7], s21  }
0xa0: {  	_ =	swait.ge [sflag:s23], s21  }
0xa1: {  	s6 =	ssub.s32 $0x0, s21;
	[sflag:s23] =	ssyncset.done $0x0  }
0xa2: {  	[sflag:s23] =	ssyncadd.s32 s6;
	_ =	sdelay $0x1  }
0xa3: {  	s24 =	simm.s32 $0x1B8B  }
0xa4: {  	_ =	swait.ge [sflag:s24], $0x1  }
0xa5: {  	[sflag:s24] =	ssyncset.done $0x0  }
0xa6: {  	s25 =	simm.s32 $0x1B8E;
	[sflag:s24] =	ssyncadd.s32 $0xFFFFFFFF  }
0xa7: {  	s26 =	simm.s32 $execute0_lowered;
	[smem:$0x3FD2] =	sst s25  }
0xa8: {  	s6 =	sshll.u32 s26, $0x1;
	_ =	strace $0x80000046;
	[dreg:$0x1] =	wrdreg $0xFFFFFFFF  }
0xa9: {  	s28 =	simm.s32 $_size_execute0_lowered;
	s5 =	sadd.s32 s5, s6;
	[dreg:$0x0] =	wrdreg $0x0  }
0xaa: {  	s6 =	sshll.u32 s28, $0x1;
	[dreg:$0x2] =	wrdreg s5  }
0xab: {  	[dreg:$0x3] =	wrdreg s6  }
0xac: {  	[dreg:$0x4] =	wrdreg $0xC0  }
0xad: {  	_ =	task [dreg:s9], $0x5FFFF  }
0xae: {  	[dreg:$0x1] =	wrdreg $0xFFFFFFFF  }
0xaf: {  	[dreg:$0x0] =	wrdreg $0x60  }
0xb0: {  	[dreg:$0x2] =	wrdreg s2  }
0xb1: {  	[dreg:$0x3] =	wrdreg s19  }
0xb2: {  	[dreg:$0x4] =	wrdreg s4  }
0xb3: {  	[dreg:$0x5] =	wrdreg $0x9  }
0xb4: {  	_ =	task.clear_ibuf [dreg:s9], $0x6FFFF;
	_ =	strace $0x90000046  }
0xb5: {  	s29 =	simm.s32 $0x9;
	_ =	strace $0x80000048  }
0xb6: {  	_ =	swait.ge [sflag:s29], $0x1  }
0xb7: {  	[sflag:s29] =	ssyncadd.s32 $0xFFFFFFFF  }
0xb8: {  	_ =	strace $0x90000048  }
0xb9: {  	_ =	sfence  }
0xba: {  	s30 =	sld [smem:$0x0];
	_ =	sdelay $0x2  }
0xbb: {  	s31 =	sshll.u32 s1, $0xD;
	s1 =	sshrl.u32 s1, $0x2  }
0xbc: {  	s3 =	sand.u32 $0x4000, s31;
	s1 =	sadd.s32 s1, s30  }
0xbd: {  	s0 =	sor.u32 s3, s0;
	s1 =	sshll.u32 s1, $0x11  }
0xbe: {  	s0 =	sor.u32 s1, s0  }
0xbf: {  	s0 =	sadd.s32 $0x8F2B, s0  }
0xc0: {  	[sflag:s0] =	ssyncadd.remote.s32 $0x1  }
0xc1: {  	_ =	sfence.sel $0xFFFF  }
0xc2: {  	[dreg:$0x0] =	wrdreg $0xFFFFFFFF;
	(pc) =	sbr.abs _section_cstart, $3  }
0xc3: {  	[dreg:$0x1] =	wrdreg $0xFFFFFFFF  }
0xc4: {  	_ =	task.clear_ibuf [dreg:s9], $0x2FFFF;
	_ =	strace $0x9FFFFFFF  }
0xc5: {  	(tm) =	ssettm $0x7FFFFFFF  }
tec
execute0_lowered:
.L_overlay_start_1:
0x0: {  	(tag) =	ssettag $0x1  }
0x1: {  	s0 =	rddreg [dreg:$0x0]  }
0x2: {  	s1 =	rddreg [dreg:$0x1]  }
0x3: {  	s3 =	rddreg [dreg:$0x2]  }
0x4: {  	s2 =	srdreg.scid;
	s4 =	simm.s32 $0x0;
	s5 =	stileid.u32  }
0x5: {  	s17 =	simm.s32 $0x80;
	s18 =	simm.s32 $0x1C00;
	s19 =	simm.s32 $0x5C00  }
0x6: {  	s21 =	simm.s32 $0x9C00;
	s23 =	simm.s32 $0xDC00;
	s24 =	simm.s32 $0x11C00  }
0x7: {  	s28 =	simm.s32 $0x3;
	s29 =	simm.s32 $0x4;
	s30 =	simm.s32 $0x5  }
0x8: {  	s13 =	simm.s32 $0x9;
	s14 =	simm.s32 $0xA;
	s15 =	simm.s32 $0x0  }
0x9: {  	s2 =	sand.u32 $0x1, s2;
	s5 =	sshll.u32 s5, $0x8;
	[smem:$0x7FF] =	sst s4  }
0xa: {  	s6 =	ssub.s32 $0x2, s2;
	s2 =	sshll.u32 s2, $0x7;
	_ =	strace $0x80000047  }
0xb: {  	s7 =	sshrl.u32 s6, $0x1;
	s5 =	sor.u32 s2, s5;
	s2 =	simm.s32 $0x8  }
0xc: {  	s25 =	ssub.s32 s6, s7;
	s0 =	sadd.s32 s0, s5;
	s8 =	sor.u32 $0x1000, s5  }
0xd: {  	s26 =	sshll.u32 s5, $0x4;
	s9 =	sor.u32 $0x2000, s5;
	s10 =	sor.u32 $0x3000, s5  }
0xe: {  	[dreg:$0x4] =	wrdreg s0;
	s0 =	sadd.s32 $0x6000, s0;
	s11 =	sadd.s32 s3, s26  }
0xf: {  	s31 =	smax.u32 s25, $0x1;
	s25 =	simm.s32 $0x1;
	[dreg:$0x5] =	wrdreg s0  }
0x10: {  	s26 =	simm.s32 $0x2;
	[dreg:$0x6] =	wrdreg s31;
	s0 =	simm.s32 $0x7  }
.LBB2_1:
0x11: {  	s6 =	rddreg [dreg:$0x4];
	s7 =	simm.s32 $0x400;
	s12 =	simm.s32 $0x8000  }
0x12: {  	[tilespmem:s4], [sflag:$0xB] =	stream.strided.gather [hbm4b:s6+s7], $0x1800, s12, s7, $0x38;
	[tilespmem:$0x15C00] =	vst v63  }
0x13: {  	s16 =	simm.s32 $0x1800;
	s20 =	simm.s32 $0xB;
	s12 =	rddreg [dreg:$0x5]  }
0x14: {  	[tilespmem:s16], [sflag:$0xB] =	stream.linear.gather [hbm4b:s12+s4], $0x100, $0x38;
	[tilespmem:$0x15C00] =	vst v63  }
0x15: {  	_ =	swait.ge [sflag:s20], $0x1900  }
0x16: {  	[sflag:s20] =	ssyncset.done $0x0  }
0x17: {  	[sflag:s20] =	ssyncadd.s32 $0xFFFFE700  }
0x18: {  	[tilespmem:s18], [sflag:$0x1] =	stream.indirect.gather [hbm4b:s1+s17], $0x80, s4, s17, $0xb8;
	[tilespmem:$0x15C00] =	vst v63  }
0x19: {  	_ = 	snop  }
0x1a: {  	[tilespmem:s19], [sflag:$0x2] =	stream.indirect.gather [hbm4b:s1+s17], $0x80, s17, s17, $0xb8;
	[tilespmem:$0x15C00] =	vst v63  }
0x1b: {  	s22 =	simm.s32 $0x100  }
0x1c: {  	[tilespmem:s21], [sflag:$0x3] =	stream.indirect.gather [hbm4b:s1+s17], $0x80, s22, s17, $0xb8;
	[tilespmem:$0x15C00] =	vst v63  }
0x1d: {  	s31 =	simm.s32 $0x180;
	s20 =	simm.s32 $0x0  }
0x1e: {  	[tilespmem:s23], [sflag:$0x4] =	stream.indirect.gather [hbm4b:s1+s17], $0x80, s31, s17, $0xb8;
	[tilespmem:$0x15C00] =	vst v63  }
.LBB2_2:
0x1f: {  	s6 =	smul.u32 $0x5, s20;
	p0 =	seq.s32 s20, $0x0  }
0x20: {  	s7 =	simm.s32 @!p0 $0xA  }
0x21: {  	s22 =	sadd.s32 $0x4, s6;
	_ =	swait.ge @!p0 [sflag:s7], $0x4000  }
0x22: {  	[sflag:s7] =	ssyncset.done @!p0 $0x0;
	s6 =	sshll.u32 s22, $0x7  }
0x23: {  	[sflag:s7] =	ssyncadd.s32 @!p0 $0xFFFFC000;
	s6 =	sand.u32 $0x3FFFFF80, s6  }
0x24: {  	[tilespmem:s24], [sflag:$0x5] =	stream.indirect.gather [hbm4b:s1+s17], $0x80, s6, s17, $0xb8;
	[tilespmem:$0x15C00] =	vst v63  }
0x25: {  	_ =	swait.ge [sflag:s25], $0x4000  }
0x26: {  	[sflag:s25] =	ssyncset.done $0x0  }
0x27: {  	s12 =	simm.s32 $0x1D00;
	[sflag:s25] =	ssyncadd.s32 $0xFFFFC000  }
0x28: {  	v0 =	vld [tilespmem:s12+$0xF0]  }
0x29: {  	v1 =	vld [tilespmem:s12+$0xFFFFFF10]  }
0x2a: {  	v2 =	vld [tilespmem:s12+$0xFFFFFF20]  }
0x2b: {  	v3 =	vld [tilespmem:s12+$0xFFFFFF30]  }
0x2c: {  	v6 =	vld [tilespmem:s12+$0xFFFFFF60]  }
0x2d: {  	v4 =	vld [tilespmem:s12+$0xFFFFFF40]  }
0x2e: {  	v5 =	vld [tilespmem:s12+$0xFFFFFF50];
	v0 =	vmul.f32 $1.131370830e+01, v0  }
0x2f: {  	v8 =	vld [tilespmem:s12+$0xFFFFFF80];
	v1 =	vmul.f32 $1.131370830e+01, v1  }
0x30: {  	v7 =	vld [tilespmem:s12+$0xFFFFFF70];
	v2 =	vmul.f32 $1.131370830e+01, v2;
	[tilespmem:s12+$0xF0] =	vst v0  }
0x31: {  	v6 =	vmul.f32 $1.131370830e+01, v6;
	v0 =	vld [tilespmem:s12+$0xFFFFFF90];
	[tilespmem:s12+$0xFFFFFF10] =	vst v1  }
0x32: {  	v1 =	vmul.f32 $1.131370830e+01, v3;
	v3 =	vld [tilespmem:s12+$0xFFFFFFA0];
	[tilespmem:s12+$0xFFFFFF20] =	vst v2;
	v2 =	vmul.f32 $1.131370830e+01, v4  }
0x33: {  	[tilespmem:s12+$0xFFFFFF60] =	vst v6;
	v6 =	vld [tilespmem:s12+$0xFFFFFFF0]  }
0x34: {  	v4 =	vld [tilespmem:s12+$0xFFFFFFB0];
	[tilespmem:s12+$0xFFFFFF40] =	vst v2;
	v2 =	vmul.f32 $1.131370830e+01, v8  }
0x35: {  	[tilespmem:s12+$0xFFFFFF30] =	vst v1;
	v1 =	vmul.f32 $1.131370830e+01, v5;
	v5 =	vld [tilespmem:s12+$0xFFFFFFC0]  }
0x36: {  	v8 =	vld [tilespmem:s12+$0xFFFFFFD0];
	[tilespmem:s12+$0xFFFFFF80] =	vst v2;
	v2 =	vmul.f32 $1.131370830e+01, v7  }
0x37: {  	[tilespmem:s12+$0xFFFFFF50] =	vst v1;
	v1 =	vld [tilespmem:s12+$0xFFFFFFE0];
	v0 =	vmul.f32 $1.131370830e+01, v0  }
0x38: {  	v7 =	vld [tilespmem:s12+$0x30];
	v6 =	vmul.f32 $1.131370830e+01, v6;
	[tilespmem:s12+$0xFFFFFF70] =	vst v2  }
0x39: {  	v2 =	vmul.f32 $1.131370830e+01, v3;
	v3 =	vld [tilespmem:s12+$0x0];
	[tilespmem:s12+$0xFFFFFF90] =	vst v0  }
0x3a: {  	v0 =	vmul.f32 $1.131370830e+01, v4;
	v4 =	vld [tilespmem:s12+$0x10];
	[tilespmem:s12+$0xFFFFFFF0] =	vst v6  }
0x3b: {  	[tilespmem:s12+$0xFFFFFFA0] =	vst v2;
	v2 =	vmul.f32 $1.131370830e+01, v5;
	v5 =	vld [tilespmem:s12+$0x20]  }
0x3c: {  	v6 =	vld [tilespmem:s12+$0x80];
	[tilespmem:s12+$0xFFFFFFB0] =	vst v0;
	v0 =	vmul.f32 $1.131370830e+01, v8  }
0x3d: {  	v1 =	vmul.f32 $1.131370830e+01, v1;
	[tilespmem:s12+$0xFFFFFFC0] =	vst v2;
	v2 =	vld [tilespmem:s12+$0x40]  }
0x3e: {  	[tilespmem:s12+$0xFFFFFFD0] =	vst v0;
	v0 =	vmul.f32 $1.131370830e+01, v3;
	v3 =	vld [tilespmem:s12+$0x50]  }
0x3f: {  	[tilespmem:s12+$0xFFFFFFE0] =	vst v1;
	v1 =	vld [tilespmem:s12+$0x60];
	v4 =	vmul.f32 $1.131370830e+01, v4  }
0x40: {  	[tilespmem:s12+$0x0] =	vst v0;
	v0 =	vmul.f32 $1.131370830e+01, v5;
	v5 =	vld [tilespmem:s12+$0x70]  }
0x41: {  	v6 =	vmul.f32 $1.131370830e+01, v6;
	[tilespmem:s12+$0x10] =	vst v4  }
0x42: {  	v4 =	vmul.f32 $1.131370830e+01, v7;
	v7 =	vld [tilespmem:s12+$0x90];
	[tilespmem:s12+$0x20] =	vst v0;
	v0 =	vmul.f32 $1.131370830e+01, v2  }
0x43: {  	v8 =	vld [tilespmem:s12+$0xA0];
	[tilespmem:s12+$0x80] =	vst v6;
	v2 =	vmul.f32 $1.131370830e+01, v3  }
0x44: {  	v3 =	vmul.f32 $1.131370830e+01, v1;
	[tilespmem:s12+$0x40] =	vst v0;
	v0 =	vld [tilespmem:s12+$0xB0]  }
0x45: {  	v1 =	vld [tilespmem:s12+$0xC0];
	[tilespmem:s12+$0x50] =	vst v2;
	v2 =	vmul.f32 $1.131370830e+01, v5  }
0x46: {  	[tilespmem:s12+$0x60] =	vst v3;
	v3 =	vld [tilespmem:s12+$0xD0]  }
0x47: {  	v5 =	vmul.f32 $1.131370830e+01, v7;
	[tilespmem:s12+$0x70] =	vst v2;
	v2 =	vld [tilespmem:s12+$0xE0]  }
0x48: {  	s7 =	simm.s32 $0x1F00;
	s6 =	simm.s32 $0x0;
	v6 =	vmul.f32 $1.131370830e+01, v8;
	[tilespmem:s12+$0x30] =	vst v4;
	v4 =	vld [tilespmem:s12+$0xFFFFFF00]  }
.LBB2_3:
0x49: {  	v7 =	vld [tilespmem:s7+$0xF0];
	s6 =	sadd.s32 $0x4, s6;
	[tilespmem:s12+$0x90] =	vst v5;
	v0 =	vmul.f32 $1.131370830e+01, v0  }
0x4a: {  	v5 =	vld [tilespmem:s7+$0xFFFFFF10];
	p0 =	slt.u32 s6, $0x7C;
	[tilespmem:s12+$0xA0] =	vst v6;
	v1 =	vmul.f32 $1.131370830e+01, v1  }
0x4b: {  	v6 =	vld [tilespmem:s7+$0xFFFFFF20];
	[tilespmem:s12+$0xB0] =	vst v0;
	v0 =	vmul.f32 $1.131370830e+01, v3  }
0x4c: {  	v3 =	vld [tilespmem:s7+$0xFFFFFF30];
	[tilespmem:s12+$0xC0] =	vst v1;
	v1 =	vmul.f32 $1.131370830e+01, v2  }
0x4d: {  	v2 =	vld [tilespmem:s7+$0xFFFFFF40];
	v4 =	vmul.f32 $1.131370830e+01, v4;
	[tilespmem:s12+$0xD0] =	vst v0  }
0x4e: {  	v0 =	vld [tilespmem:s7+$0xFFFFFF50];
	v7 =	vmul.f32 $1.131370830e+01, v7;
	[tilespmem:s12+$0xE0] =	vst v1  }
0x4f: {  	v1 =	vmul.f32 $1.131370830e+01, v5;
	v5 =	vld [tilespmem:s7+$0xFFFFFF60];
	[tilespmem:s12+$0xFFFFFF00] =	vst v4;
	s12 =	smov.u32 s7  }
0x50: {  	v4 =	vmul.f32 $1.131370830e+01, v6;
	v6 =	vld [tilespmem:s7+$0xFFFFFF70];
	[tilespmem:s7+$0xF0] =	vst v7  }
0x51: {  	[tilespmem:s7+$0xFFFFFF10] =	vst v1;
	v1 =	vmul.f32 $1.131370830e+01, v3;
	v3 =	vld [tilespmem:s7+$0xFFFFFF80]  }
0x52: {  	[tilespmem:s7+$0xFFFFFF20] =	vst v4;
	v2 =	vmul.f32 $1.131370830e+01, v2;
	v4 =	vld [tilespmem:s7+$0xFFFFFF90]  }
0x53: {  	[tilespmem:s7+$0xFFFFFF30] =	vst v1;
	v0 =	vmul.f32 $1.131370830e+01, v0;
	v1 =	vld [tilespmem:s7+$0xFFFFFFA0]  }
0x54: {  	[tilespmem:s7+$0xFFFFFF40] =	vst v2;
	v2 =	vmul.f32 $1.131370830e+01, v5;
	v5 =	vld [tilespmem:s7+$0xFFFFFFB0]  }
0x55: {  	[tilespmem:s7+$0xFFFFFF50] =	vst v0;
	v0 =	vmul.f32 $1.131370830e+01, v6;
	v6 =	vld [tilespmem:s7+$0xFFFFFFC0]  }
0x56: {  	[tilespmem:s7+$0xFFFFFF60] =	vst v2;
	v2 =	vmul.f32 $1.131370830e+01, v3;
	v3 =	vld [tilespmem:s7+$0xFFFFFFD0]  }
0x57: {  	[tilespmem:s7+$0xFFFFFF70] =	vst v0;
	v0 =	vmul.f32 $1.131370830e+01, v4;
	v4 =	vld [tilespmem:s7+$0xFFFFFFE0]  }
0x58: {  	[tilespmem:s7+$0xFFFFFF80] =	vst v2;
	v1 =	vmul.f32 $1.131370830e+01, v1;
	v2 =	vld [tilespmem:s7+$0xFFFFFFF0]  }
0x59: {  	[tilespmem:s7+$0xFFFFFF90] =	vst v0;
	v0 =	vmul.f32 $1.131370830e+01, v5;
	v5 =	vld [tilespmem:s7+$0x0]  }
0x5a: {  	[tilespmem:s7+$0xFFFFFFA0] =	vst v1;
	v1 =	vmul.f32 $1.131370830e+01, v6;
	v6 =	vld [tilespmem:s7+$0x10]  }
0x5b: {  	[tilespmem:s7+$0xFFFFFFB0] =	vst v0;
	v0 =	vmul.f32 $1.131370830e+01, v3;
	v3 =	vld [tilespmem:s7+$0x20]  }
0x5c: {  	[tilespmem:s7+$0xFFFFFFC0] =	vst v1;
	v1 =	vmul.f32 $1.131370830e+01, v4;
	v4 =	vld [tilespmem:s7+$0x30]  }
0x5d: {  	[tilespmem:s7+$0xFFFFFFD0] =	vst v0;
	v0 =	vmul.f32 $1.131370830e+01, v2;
	v2 =	vld [tilespmem:s7+$0x40]  }
0x5e: {  	[tilespmem:s7+$0xFFFFFFE0] =	vst v1;
	v1 =	vmul.f32 $1.131370830e+01, v5;
	v5 =	vld [tilespmem:s7+$0x50]  }
0x5f: {  	[tilespmem:s7+$0xFFFFFFF0] =	vst v0;
	v0 =	vmul.f32 $1.131370830e+01, v6;
	v6 =	vld [tilespmem:s7+$0x60]  }
0x60: {  	[tilespmem:s7+$0x0] =	vst v1;
	v1 =	vmul.f32 $1.131370830e+01, v3;
	v3 =	vld [tilespmem:s7+$0x70]  }
0x61: {  	[tilespmem:s7+$0x10] =	vst v0;
	v0 =	vmul.f32 $1.131370830e+01, v4;
	v4 =	vld [tilespmem:s7+$0x80]  }
0x62: {  	[tilespmem:s7+$0x20] =	vst v1;
	v1 =	vmul.f32 $1.131370830e+01, v2;
	v2 =	vld [tilespmem:s7+$0x90]  }
0x63: {  	[tilespmem:s7+$0x30] =	vst v0;
	v5 =	vmul.f32 $1.131370830e+01, v5;
	v7 =	vld [tilespmem:s7+$0xA0]  }
.Ltmp0:
0x64: {  	[tilespmem:s7+$0x40] =	vst v1;
	v6 =	vmul.f32 $1.131370830e+01, v6;
	v0 =	vld [tilespmem:s7+$0xB0];
	(pc) =	sbr.rel @p0 .LBB2_3-.Ltmp0, $4  }
0x65: {  	[tilespmem:s7+$0x50] =	vst v5;
	v5 =	vmul.f32 $1.131370830e+01, v3;
	v1 =	vld [tilespmem:s7+$0xC0]  }
0x66: {  	[tilespmem:s7+$0x60] =	vst v6;
	v6 =	vmul.f32 $1.131370830e+01, v4;
	v3 =	vld [tilespmem:s7+$0xD0]  }
0x67: {  	[tilespmem:s7+$0x70] =	vst v5;
	v5 =	vmul.f32 $1.131370830e+01, v2;
	v2 =	vld [tilespmem:s7+$0xE0]  }
0x68: {  	s7 =	sadd.s32 $0x200, s7;
	v4 =	vld [tilespmem:s12+$0xFFFFFF00];
	[tilespmem:s12+$0x80] =	vst v6;
	v6 =	vmul.f32 $1.131370830e+01, v7  }
0x69: {  	[tilespmem:s12+$0x90] =	vst v5;
	v0 =	vmul.f32 $1.131370830e+01, v0  }
0x6a: {  	[tilespmem:s12+$0xA0] =	vst v6;
	v1 =	vmul.f32 $1.131370830e+01, v1  }
0x6b: {  	s7 =	smul.u32 $0x5000, s20;
	[tilespmem:s12+$0xB0] =	vst v0;
	v0 =	vmul.f32 $1.131370830e+01, v3  }
0x6c: {  	[tilespmem:s12+$0xC0] =	vst v1;
	v1 =	vmul.f32 $1.131370830e+01, v2  }
0x6d: {  	s6 =	sor.u32 s5, s7;
	v2 =	vmul.f32 $1.131370830e+01, v4;
	[tilespmem:s12+$0xD0] =	vst v0  }
0x6e: {  	s6 =	sshll.u32 s6, $0x4;
	[tilespmem:s12+$0xE0] =	vst v1  }
0x6f: {  	p0 =	seq.s32 s20, $0x9;
	s6 =	sadd.s32 s3, s6;
	[tilespmem:s12+$0xFFFFFF00] =	vst v2  }
0x70: {  	[hbm4b:s6+s4] =	stream.linear.scatter [tilespmem:s18], [sflag:$0x6], $0x4000, $0x38;
	[tilespmem:$0x15C00] =	vst v63  }
0x71: {  	s12 =	smul.u32 @!p0 $0xA00, s20;
	s6 =	simm.s32 @!p0 $0x6  }
0x72: {  	_ =	swait.ge @!p0 [sflag:s6], $0x4000  }
0x73: {  	s16 =	simm.s32 @!p0 $0x80;
	s12 =	sshra.s32 @!p0 s12, $0x2;
	[sflag:s6] =	ssyncset.done @!p0 $0x0  }
0x74: {  	s31 =	simm.s32 @!p0 $0x1C00;
	[sflag:s6] =	ssyncadd.s32 @!p0 $0xFFFFC000;
	s6 =	sadd.s32 @!p0 $0x280, s12  }
0x75: {  	[tilespmem:s31], [sflag:$0x1] =	stream.indirect.gather @!p0 [hbm4b:s1+s16], $0x80, s6, s16, $0xb8;
	[tilespmem:$0x15C00] =	vst v63  }
0x76: {  	_ =	swait.ge [sflag:s26], $0x4000  }
0x77: {  	[sflag:s26] =	ssyncset.done $0x0  }
0x78: {  	s6 =	simm.s32 $0x5C00;
	[sflag:s26] =	ssyncadd.s32 $0xFFFFC000  }
0x79: {  	v0 =	vld [tilespmem:s6+$0x1F0]  }
0x7a: {  	v1 =	vld [tilespmem:s6+$0x10]  }
0x7b: {  	v2 =	vld [tilespmem:s6+$0x20]  }
0x7c: {  	v3 =	vld [tilespmem:s6+$0x30]  }
0x7d: {  	v6 =	vld [tilespmem:s6+$0x60]  }
0x7e: {  	v4 =	vld [tilespmem:s6+$0x40]  }
0x7f: {  	v5 =	vld [tilespmem:s6+$0x50];
	v0 =	vmul.f32 $1.131370830e+01, v0  }
0x80: {  	v8 =	vld [tilespmem:s6+$0x80];
	v1 =	vmul.f32 $1.131370830e+01, v1  }
0x81: {  	v7 =	vld [tilespmem:s6+$0x70];
	v2 =	vmul.f32 $1.131370830e+01, v2;
	[tilespmem:s6+$0x1F0] =	vst v0  }
0x82: {  	v6 =	vmul.f32 $1.131370830e+01, v6;
	v0 =	vld [tilespmem:s6+$0x90];
	[tilespmem:s6+$0x10] =	vst v1  }
0x83: {  	v1 =	vmul.f32 $1.131370830e+01, v3;
	v3 =	vld [tilespmem:s6+$0xA0];
	[tilespmem:s6+$0x20] =	vst v2;
	v2 =	vmul.f32 $1.131370830e+01, v4  }
0x84: {  	[tilespmem:s6+$0x60] =	vst v6;
	v6 =	vld [tilespmem:s6+$0xF0]  }
0x85: {  	v4 =	vld [tilespmem:s6+$0xB0];
	[tilespmem:s6+$0x40] =	vst v2;
	v2 =	vmul.f32 $1.131370830e+01, v8  }
0x86: {  	[tilespmem:s6+$0x30] =	vst v1;
	v1 =	vmul.f32 $1.131370830e+01, v5;
	v5 =	vld [tilespmem:s6+$0xC0]  }
0x87: {  	v8 =	vld [tilespmem:s6+$0xD0];
	[tilespmem:s6+$0x80] =	vst v2;
	v2 =	vmul.f32 $1.131370830e+01, v7  }
0x88: {  	[tilespmem:s6+$0x50] =	vst v1;
	v1 =	vld [tilespmem:s6+$0xE0];
	v0 =	vmul.f32 $1.131370830e+01, v0  }
0x89: {  	v7 =	vld [tilespmem:s6+$0x130];
	v6 =	vmul.f32 $1.131370830e+01, v6;
	[tilespmem:s6+$0x70] =	vst v2  }
0x8a: {  	v2 =	vmul.f32 $1.131370830e+01, v3;
	v3 =	vld [tilespmem:s6+$0x100];
	[tilespmem:s6+$0x90] =	vst v0  }
0x8b: {  	v0 =	vmul.f32 $1.131370830e+01, v4;
	v4 =	vld [tilespmem:s6+$0x110];
	[tilespmem:s6+$0xF0] =	vst v6  }
0x8c: {  	[tilespmem:s6+$0xA0] =	vst v2;
	v2 =	vmul.f32 $1.131370830e+01, v5;
	v5 =	vld [tilespmem:s6+$0x120]  }
0x8d: {  	v6 =	vld [tilespmem:s6+$0x180];
	[tilespmem:s6+$0xB0] =	vst v0;
	v0 =	vmul.f32 $1.131370830e+01, v8  }
0x8e: {  	v1 =	vmul.f32 $1.131370830e+01, v1;
	[tilespmem:s6+$0xC0] =	vst v2;
	v2 =	vld [tilespmem:s6+$0x140]  }
0x8f: {  	[tilespmem:s6+$0xD0] =	vst v0;
	v0 =	vmul.f32 $1.131370830e+01, v3  }
0x90: {  	v3 =	vld [tilespmem:s6+$0x150];
	[tilespmem:s6+$0xE0] =	vst v1;
	v4 =	vmul.f32 $1.131370830e+01, v4  }
0x91: {  	v1 =	vld [tilespmem:s6+$0x160];
	[tilespmem:s6+$0x100] =	vst v0;
	v0 =	vmul.f32 $1.131370830e+01, v5  }
0x92: {  	v6 =	vmul.f32 $1.131370830e+01, v6;
	v5 =	vld [tilespmem:s6+$0x170];
	[tilespmem:s6+$0x110] =	vst v4  }
0x93: {  	v4 =	vmul.f32 $1.131370830e+01, v7;
	v7 =	vld [tilespmem:s6+$0x190];
	[tilespmem:s6+$0x120] =	vst v0;
	v0 =	vmul.f32 $1.131370830e+01, v2  }
0x94: {  	v8 =	vld [tilespmem:s6+$0x1A0];
	[tilespmem:s6+$0x180] =	vst v6  }
0x95: {  	v2 =	vmul.f32 $1.131370830e+01, v3;
	[tilespmem:s6+$0x140] =	vst v0;
	v0 =	vld [tilespmem:s6+$0x1B0]  }
0x96: {  	[tilespmem:s6+$0x130] =	vst v4;
	v3 =	vmul.f32 $1.131370830e+01, v1;
	v1 =	vld [tilespmem:s6+$0x1C0]  }
0x97: {  	[tilespmem:s6+$0x150] =	vst v2;
	v4 =	vmul.f32 $1.131370830e+01, v5;
	v2 =	vld [tilespmem:s6+$0x1D0]  }
0x98: {  	[tilespmem:s6+$0x160] =	vst v3;
	v3 =	vld [tilespmem:s6+$0x1E0];
	v5 =	vmul.f32 $1.131370830e+01, v7  }
0x99: {  	s16 =	simm.s32 $0x0;
	s31 =	simm.s32 $0x5E00;
	v6 =	vmul.f32 $1.131370830e+01, v8;
	[tilespmem:s6+$0x170] =	vst v4;
	v4 =	vld [tilespmem:s6+$0x0]  }
.LBB2_5:
0x9a: {  	v7 =	vld [tilespmem:s31+$0x1F0];
	s16 =	sadd.s32 $0x4, s16;
	[tilespmem:s6+$0x190] =	vst v5;
	v0 =	vmul.f32 $1.131370830e+01, v0  }
0x9b: {  	v5 =	vld [tilespmem:s31+$0x10];
	p1 =	slt.u32 s16, $0x7C;
	[tilespmem:s6+$0x1A0] =	vst v6;
	v1 =	vmul.f32 $1.131370830e+01, v1  }
0x9c: {  	v6 =	vld [tilespmem:s31+$0x20];
	[tilespmem:s6+$0x1B0] =	vst v0;
	v0 =	vmul.f32 $1.131370830e+01, v2  }
0x9d: {  	v2 =	vld [tilespmem:s31+$0x30];
	[tilespmem:s6+$0x1C0] =	vst v1;
	v1 =	vmul.f32 $1.131370830e+01, v3  }
0x9e: {  	v3 =	vld [tilespmem:s31+$0x40];
	v4 =	vmul.f32 $1.131370830e+01, v4;
	[tilespmem:s6+$0x1D0] =	vst v0  }
0x9f: {  	v0 =	vld [tilespmem:s31+$0x50];
	v7 =	vmul.f32 $1.131370830e+01, v7;
	[tilespmem:s6+$0x1E0] =	vst v1  }
0xa0: {  	v1 =	vmul.f32 $1.131370830e+01, v5;
	v5 =	vld [tilespmem:s31+$0x60];
	[tilespmem:s6+$0x0] =	vst v4;
	s6 =	smov.u32 s31  }
0xa1: {  	v4 =	vmul.f32 $1.131370830e+01, v6;
	v6 =	vld [tilespmem:s31+$0x70];
	[tilespmem:s31+$0x1F0] =	vst v7  }
0xa2: {  	[tilespmem:s31+$0x10] =	vst v1;
	v1 =	vmul.f32 $1.131370830e+01, v2;
	v2 =	vld [tilespmem:s31+$0x80]  }
0xa3: {  	[tilespmem:s31+$0x20] =	vst v4;
	v3 =	vmul.f32 $1.131370830e+01, v3;
	v4 =	vld [tilespmem:s31+$0x90]  }
0xa4: {  	[tilespmem:s31+$0x30] =	vst v1;
	v0 =	vmul.f32 $1.131370830e+01, v0;
	v1 =	vld [tilespmem:s31+$0xA0]  }
0xa5: {  	[tilespmem:s31+$0x40] =	vst v3;
	v3 =	vmul.f32 $1.131370830e+01, v5;
	v5 =	vld [tilespmem:s31+$0xB0]  }
0xa6: {  	[tilespmem:s31+$0x50] =	vst v0;
	v0 =	vmul.f32 $1.131370830e+01, v6;
	v6 =	vld [tilespmem:s31+$0xC0]  }
0xa7: {  	[tilespmem:s31+$0x60] =	vst v3;
	v2 =	vmul.f32 $1.131370830e+01, v2;
	v3 =	vld [tilespmem:s31+$0xD0]  }
0xa8: {  	[tilespmem:s31+$0x70] =	vst v0;
	v0 =	vmul.f32 $1.131370830e+01, v4;
	v4 =	vld [tilespmem:s31+$0xE0]  }
0xa9: {  	[tilespmem:s31+$0x80] =	vst v2;
	v1 =	vmul.f32 $1.131370830e+01, v1;
	v2 =	vld [tilespmem:s31+$0xF0]  }
0xaa: {  	[tilespmem:s31+$0x90] =	vst v0;
	v0 =	vmul.f32 $1.131370830e+01, v5;
	v5 =	vld [tilespmem:s31+$0x100]  }
0xab: {  	[tilespmem:s31+$0xA0] =	vst v1;
	v1 =	vmul.f32 $1.131370830e+01, v6;
	v6 =	vld [tilespmem:s31+$0x110]  }
0xac: {  	[tilespmem:s31+$0xB0] =	vst v0;
	v0 =	vmul.f32 $1.131370830e+01, v3;
	v3 =	vld [tilespmem:s31+$0x120]  }
0xad: {  	[tilespmem:s31+$0xC0] =	vst v1;
	v1 =	vmul.f32 $1.131370830e+01, v4;
	v4 =	vld [tilespmem:s31+$0x130]  }
0xae: {  	[tilespmem:s31+$0xD0] =	vst v0;
	v0 =	vmul.f32 $1.131370830e+01, v2;
	v2 =	vld [tilespmem:s31+$0x140]  }
0xaf: {  	[tilespmem:s31+$0xE0] =	vst v1;
	v1 =	vmul.f32 $1.131370830e+01, v5;
	v5 =	vld [tilespmem:s31+$0x150]  }
0xb0: {  	[tilespmem:s31+$0xF0] =	vst v0;
	v0 =	vmul.f32 $1.131370830e+01, v6;
	v6 =	vld [tilespmem:s31+$0x160]  }
0xb1: {  	[tilespmem:s31+$0x100] =	vst v1;
	v1 =	vmul.f32 $1.131370830e+01, v3;
	v3 =	vld [tilespmem:s31+$0x170]  }
0xb2: {  	[tilespmem:s31+$0x110] =	vst v0;
	v0 =	vmul.f32 $1.131370830e+01, v4;
	v4 =	vld [tilespmem:s31+$0x180]  }
0xb3: {  	[tilespmem:s31+$0x120] =	vst v1;
	v1 =	vmul.f32 $1.131370830e+01, v2;
	v7 =	vld [tilespmem:s31+$0x190]  }
0xb4: {  	[tilespmem:s31+$0x130] =	vst v0;
	v2 =	vmul.f32 $1.131370830e+01, v5;
	v8 =	vld [tilespmem:s31+$0x1A0]  }
.Ltmp1:
0xb5: {  	[tilespmem:s31+$0x140] =	vst v1;
	v5 =	vmul.f32 $1.131370830e+01, v6;
	v0 =	vld [tilespmem:s31+$0x1B0];
	(pc) =	sbr.rel @p1 .LBB2_5-.Ltmp1, $4  }
0xb6: {  	[tilespmem:s31+$0x150] =	vst v2;
	v3 =	vmul.f32 $1.131370830e+01, v3;
	v1 =	vld [tilespmem:s31+$0x1C0]  }
0xb7: {  	[tilespmem:s31+$0x160] =	vst v5;
	v6 =	vmul.f32 $1.131370830e+01, v4;
	v2 =	vld [tilespmem:s31+$0x1D0]  }
0xb8: {  	[tilespmem:s31+$0x170] =	vst v3;
	v5 =	vmul.f32 $1.131370830e+01, v7;
	v3 =	vld [tilespmem:s31+$0x1E0]  }
0xb9: {  	s31 =	sadd.s32 $0x200, s31;
	v4 =	vld [tilespmem:s6+$0x0];
	[tilespmem:s6+$0x180] =	vst v6;
	v6 =	vmul.f32 $1.131370830e+01, v8  }
0xba: {  	[tilespmem:s6+$0x190] =	vst v5;
	v0 =	vmul.f32 $1.131370830e+01, v0  }
0xbb: {  	[tilespmem:s6+$0x1A0] =	vst v6;
	v1 =	vmul.f32 $1.131370830e+01, v1  }
0xbc: {  	[tilespmem:s6+$0x1B0] =	vst v0;
	v0 =	vmul.f32 $1.131370830e+01, v2  }
0xbd: {  	[tilespmem:s6+$0x1C0] =	vst v1;
	v1 =	vmul.f32 $1.131370830e+01, v3  }
0xbe: {  	s16 =	sadd.s32 s8, s7;
	v2 =	vmul.f32 $1.131370830e+01, v4;
	[tilespmem:s6+$0x1D0] =	vst v0  }
0xbf: {  	s16 =	sshll.u32 s16, $0x4;
	[tilespmem:s6+$0x1E0] =	vst v1  }
0xc0: {  	s16 =	sadd.s32 s3, s16;
	[tilespmem:s6+$0x0] =	vst v2;
	s6 =	simm.s32 @!p0 $0x7  }
0xc1: {  	[hbm4b:s16+s4] =	stream.linear.scatter [tilespmem:s19], [sflag:$0x7], $0x4000, $0x38;
	[tilespmem:$0x15C00] =	vst v63  }
0xc2: {  	_ =	swait.ge @!p0 [sflag:s6], $0x4000  }
0xc3: {  	s31 =	simm.s32 @!p0 $0x5C00;
	[sflag:s6] =	ssyncset.done @!p0 $0x0  }
0xc4: {  	s16 =	simm.s32 @!p0 $0x80;
	[sflag:s6] =	ssyncadd.s32 @!p0 $0xFFFFC000;
	s6 =	sadd.s32 @!p0 $0x300, s12  }
0xc5: {  	[tilespmem:s31], [sflag:$0x2] =	stream.indirect.gather @!p0 [hbm4b:s1+s16], $0x80, s6, s16, $0xb8;
	[tilespmem:$0x15C00] =	vst v63  }
0xc6: {  	_ =	swait.ge [sflag:s28], $0x4000  }
0xc7: {  	[sflag:s28] =	ssyncset.done $0x0  }
0xc8: {  	s6 =	simm.s32 $0x9C00;
	[sflag:s28] =	ssyncadd.s32 $0xFFFFC000  }
0xc9: {  	v0 =	vld [tilespmem:s6+$0x1F0]  }
0xca: {  	v1 =	vld [tilespmem:s6+$0x10]  }
0xcb: {  	v2 =	vld [tilespmem:s6+$0x20]  }
0xcc: {  	v3 =	vld [tilespmem:s6+$0x30]  }
0xcd: {  	v6 =	vld [tilespmem:s6+$0x60]  }
0xce: {  	v4 =	vld [tilespmem:s6+$0x40]  }
0xcf: {  	v5 =	vld [tilespmem:s6+$0x50];
	v0 =	vmul.f32 $1.131370830e+01, v0  }
0xd0: {  	v8 =	vld [tilespmem:s6+$0x80];
	v1 =	vmul.f32 $1.131370830e+01, v1  }
0xd1: {  	v7 =	vld [tilespmem:s6+$0x70];
	v2 =	vmul.f32 $1.131370830e+01, v2;
	[tilespmem:s6+$0x1F0] =	vst v0  }
0xd2: {  	v6 =	vmul.f32 $1.131370830e+01, v6;
	v0 =	vld [tilespmem:s6+$0x90];
	[tilespmem:s6+$0x10] =	vst v1  }
0xd3: {  	v1 =	vmul.f32 $1.131370830e+01, v3;
	v3 =	vld [tilespmem:s6+$0xA0];
	[tilespmem:s6+$0x20] =	vst v2;
	v2 =	vmul.f32 $1.131370830e+01, v4  }
0xd4: {  	[tilespmem:s6+$0x60] =	vst v6;
	v6 =	vld [tilespmem:s6+$0xF0]  }
0xd5: {  	v4 =	vld [tilespmem:s6+$0xB0];
	[tilespmem:s6+$0x40] =	vst v2;
	v2 =	vmul.f32 $1.131370830e+01, v8  }
0xd6: {  	[tilespmem:s6+$0x30] =	vst v1;
	v1 =	vmul.f32 $1.131370830e+01, v5;
	v5 =	vld [tilespmem:s6+$0xC0]  }
0xd7: {  	v8 =	vld [tilespmem:s6+$0xD0];
	[tilespmem:s6+$0x80] =	vst v2;
	v2 =	vmul.f32 $1.131370830e+01, v7  }
0xd8: {  	[tilespmem:s6+$0x50] =	vst v1;
	v1 =	vld [tilespmem:s6+$0xE0];
	v0 =	vmul.f32 $1.131370830e+01, v0  }
0xd9: {  	v7 =	vld [tilespmem:s6+$0x130];
	v6 =	vmul.f32 $1.131370830e+01, v6;
	[tilespmem:s6+$0x70] =	vst v2  }
0xda: {  	v2 =	vmul.f32 $1.131370830e+01, v3;
	v3 =	vld [tilespmem:s6+$0x100];
	[tilespmem:s6+$0x90] =	vst v0  }
0xdb: {  	v0 =	vmul.f32 $1.131370830e+01, v4;
	v4 =	vld [tilespmem:s6+$0x110];
	[tilespmem:s6+$0xF0] =	vst v6  }
0xdc: {  	[tilespmem:s6+$0xA0] =	vst v2;
	v2 =	vmul.f32 $1.131370830e+01, v5;
	v5 =	vld [tilespmem:s6+$0x120]  }
0xdd: {  	v6 =	vld [tilespmem:s6+$0x180];
	[tilespmem:s6+$0xB0] =	vst v0;
	v0 =	vmul.f32 $1.131370830e+01, v8  }
0xde: {  	v1 =	vmul.f32 $1.131370830e+01, v1;
	[tilespmem:s6+$0xC0] =	vst v2;
	v2 =	vld [tilespmem:s6+$0x140]  }
0xdf: {  	[tilespmem:s6+$0xD0] =	vst v0;
	v0 =	vmul.f32 $1.131370830e+01, v3  }
0xe0: {  	v3 =	vld [tilespmem:s6+$0x150];
	[tilespmem:s6+$0xE0] =	vst v1;
	v4 =	vmul.f32 $1.131370830e+01, v4  }
0xe1: {  	v1 =	vld [tilespmem:s6+$0x160];
	[tilespmem:s6+$0x100] =	vst v0;
	v0 =	vmul.f32 $1.131370830e+01, v5  }
0xe2: {  	v6 =	vmul.f32 $1.131370830e+01, v6;
	v5 =	vld [tilespmem:s6+$0x170];
	[tilespmem:s6+$0x110] =	vst v4  }
0xe3: {  	v4 =	vmul.f32 $1.131370830e+01, v7;
	v7 =	vld [tilespmem:s6+$0x190];
	[tilespmem:s6+$0x120] =	vst v0;
	v0 =	vmul.f32 $1.131370830e+01, v2  }
0xe4: {  	v8 =	vld [tilespmem:s6+$0x1A0];
	[tilespmem:s6+$0x180] =	vst v6  }
0xe5: {  	v2 =	vmul.f32 $1.131370830e+01, v3;
	[tilespmem:s6+$0x140] =	vst v0;
	v0 =	vld [tilespmem:s6+$0x1B0]  }
0xe6: {  	[tilespmem:s6+$0x130] =	vst v4;
	v3 =	vmul.f32 $1.131370830e+01, v1;
	v1 =	vld [tilespmem:s6+$0x1C0]  }
0xe7: {  	[tilespmem:s6+$0x150] =	vst v2;
	v4 =	vmul.f32 $1.131370830e+01, v5;
	v2 =	vld [tilespmem:s6+$0x1D0]  }
0xe8: {  	[tilespmem:s6+$0x160] =	vst v3;
	v3 =	vld [tilespmem:s6+$0x1E0];
	v5 =	vmul.f32 $1.131370830e+01, v7  }
0xe9: {  	s16 =	simm.s32 $0x0;
	s31 =	simm.s32 $0x9E00;
	v6 =	vmul.f32 $1.131370830e+01, v8;
	[tilespmem:s6+$0x170] =	vst v4;
	v4 =	vld [tilespmem:s6+$0x0]  }
.LBB2_7:
0xea: {  	v7 =	vld [tilespmem:s31+$0x1F0];
	s16 =	sadd.s32 $0x4, s16;
	[tilespmem:s6+$0x190] =	vst v5;
	v0 =	vmul.f32 $1.131370830e+01, v0  }
0xeb: {  	v5 =	vld [tilespmem:s31+$0x10];
	p1 =	slt.u32 s16, $0x7C;
	[tilespmem:s6+$0x1A0] =	vst v6;
	v1 =	vmul.f32 $1.131370830e+01, v1  }
0xec: {  	v6 =	vld [tilespmem:s31+$0x20];
	[tilespmem:s6+$0x1B0] =	vst v0;
	v0 =	vmul.f32 $1.131370830e+01, v2  }
0xed: {  	v2 =	vld [tilespmem:s31+$0x30];
	[tilespmem:s6+$0x1C0] =	vst v1;
	v1 =	vmul.f32 $1.131370830e+01, v3  }
0xee: {  	v3 =	vld [tilespmem:s31+$0x40];
	v4 =	vmul.f32 $1.131370830e+01, v4;
	[tilespmem:s6+$0x1D0] =	vst v0  }
0xef: {  	v0 =	vld [tilespmem:s31+$0x50];
	v7 =	vmul.f32 $1.131370830e+01, v7;
	[tilespmem:s6+$0x1E0] =	vst v1  }
0xf0: {  	v1 =	vmul.f32 $1.131370830e+01, v5;
	v5 =	vld [tilespmem:s31+$0x60];
	[tilespmem:s6+$0x0] =	vst v4;
	s6 =	smov.u32 s31  }
0xf1: {  	v4 =	vmul.f32 $1.131370830e+01, v6;
	v6 =	vld [tilespmem:s31+$0x70];
	[tilespmem:s31+$0x1F0] =	vst v7  }
0xf2: {  	[tilespmem:s31+$0x10] =	vst v1;
	v1 =	vmul.f32 $1.131370830e+01, v2;
	v2 =	vld [tilespmem:s31+$0x80]  }
0xf3: {  	[tilespmem:s31+$0x20] =	vst v4;
	v3 =	vmul.f32 $1.131370830e+01, v3;
	v4 =	vld [tilespmem:s31+$0x90]  }
0xf4: {  	[tilespmem:s31+$0x30] =	vst v1;
	v0 =	vmul.f32 $1.131370830e+01, v0;
	v1 =	vld [tilespmem:s31+$0xA0]  }
0xf5: {  	[tilespmem:s31+$0x40] =	vst v3;
	v3 =	vmul.f32 $1.131370830e+01, v5;
	v5 =	vld [tilespmem:s31+$0xB0]  }
0xf6: {  	[tilespmem:s31+$0x50] =	vst v0;
	v0 =	vmul.f32 $1.131370830e+01, v6;
	v6 =	vld [tilespmem:s31+$0xC0]  }
0xf7: {  	[tilespmem:s31+$0x60] =	vst v3;
	v2 =	vmul.f32 $1.131370830e+01, v2;
	v3 =	vld [tilespmem:s31+$0xD0]  }
0xf8: {  	[tilespmem:s31+$0x70] =	vst v0;
	v0 =	vmul.f32 $1.131370830e+01, v4;
	v4 =	vld [tilespmem:s31+$0xE0]  }
0xf9: {  	[tilespmem:s31+$0x80] =	vst v2;
	v1 =	vmul.f32 $1.131370830e+01, v1;
	v2 =	vld [tilespmem:s31+$0xF0]  }
0xfa: {  	[tilespmem:s31+$0x90] =	vst v0;
	v0 =	vmul.f32 $1.131370830e+01, v5;
	v5 =	vld [tilespmem:s31+$0x100]  }
0xfb: {  	[tilespmem:s31+$0xA0] =	vst v1;
	v1 =	vmul.f32 $1.131370830e+01, v6;
	v6 =	vld [tilespmem:s31+$0x110]  }
0xfc: {  	[tilespmem:s31+$0xB0] =	vst v0;
	v0 =	vmul.f32 $1.131370830e+01, v3;
	v3 =	vld [tilespmem:s31+$0x120]  }
0xfd: {  	[tilespmem:s31+$0xC0] =	vst v1;
	v1 =	vmul.f32 $1.131370830e+01, v4;
	v4 =	vld [tilespmem:s31+$0x130]  }
0xfe: {  	[tilespmem:s31+$0xD0] =	vst v0;
	v0 =	vmul.f32 $1.131370830e+01, v2;
	v2 =	vld [tilespmem:s31+$0x140]  }
0xff: {  	[tilespmem:s31+$0xE0] =	vst v1;
	v1 =	vmul.f32 $1.131370830e+01, v5;
	v5 =	vld [tilespmem:s31+$0x150]  }
0x100: {  	[tilespmem:s31+$0xF0] =	vst v0;
	v0 =	vmul.f32 $1.131370830e+01, v6;
	v6 =	vld [tilespmem:s31+$0x160]  }
0x101: {  	[tilespmem:s31+$0x100] =	vst v1;
	v1 =	vmul.f32 $1.131370830e+01, v3;
	v3 =	vld [tilespmem:s31+$0x170]  }
0x102: {  	[tilespmem:s31+$0x110] =	vst v0;
	v0 =	vmul.f32 $1.131370830e+01, v4;
	v4 =	vld [tilespmem:s31+$0x180]  }
0x103: {  	[tilespmem:s31+$0x120] =	vst v1;
	v1 =	vmul.f32 $1.131370830e+01, v2;
	v7 =	vld [tilespmem:s31+$0x190]  }
0x104: {  	[tilespmem:s31+$0x130] =	vst v0;
	v2 =	vmul.f32 $1.131370830e+01, v5;
	v8 =	vld [tilespmem:s31+$0x1A0]  }
.Ltmp2:
0x105: {  	[tilespmem:s31+$0x140] =	vst v1;
	v5 =	vmul.f32 $1.131370830e+01, v6;
	v0 =	vld [tilespmem:s31+$0x1B0];
	(pc) =	sbr.rel @p1 .LBB2_7-.Ltmp2, $4  }
0x106: {  	[tilespmem:s31+$0x150] =	vst v2;
	v3 =	vmul.f32 $1.131370830e+01, v3;
	v1 =	vld [tilespmem:s31+$0x1C0]  }
0x107: {  	[tilespmem:s31+$0x160] =	vst v5;
	v6 =	vmul.f32 $1.131370830e+01, v4;
	v2 =	vld [tilespmem:s31+$0x1D0]  }
0x108: {  	[tilespmem:s31+$0x170] =	vst v3;
	v5 =	vmul.f32 $1.131370830e+01, v7;
	v3 =	vld [tilespmem:s31+$0x1E0]  }
0x109: {  	s31 =	sadd.s32 $0x200, s31;
	v4 =	vld [tilespmem:s6+$0x0];
	[tilespmem:s6+$0x180] =	vst v6;
	v6 =	vmul.f32 $1.131370830e+01, v8  }
0x10a: {  	[tilespmem:s6+$0x190] =	vst v5;
	v0 =	vmul.f32 $1.131370830e+01, v0  }
0x10b: {  	[tilespmem:s6+$0x1A0] =	vst v6;
	v1 =	vmul.f32 $1.131370830e+01, v1  }
0x10c: {  	[tilespmem:s6+$0x1B0] =	vst v0;
	v0 =	vmul.f32 $1.131370830e+01, v2  }
0x10d: {  	[tilespmem:s6+$0x1C0] =	vst v1;
	v1 =	vmul.f32 $1.131370830e+01, v3  }
0x10e: {  	s16 =	sadd.s32 s9, s7;
	v2 =	vmul.f32 $1.131370830e+01, v4;
	[tilespmem:s6+$0x1D0] =	vst v0  }
0x10f: {  	s16 =	sshll.u32 s16, $0x4;
	[tilespmem:s6+$0x1E0] =	vst v1  }
0x110: {  	s16 =	sadd.s32 s3, s16;
	[tilespmem:s6+$0x0] =	vst v2;
	s6 =	simm.s32 @!p0 $0x8  }
0x111: {  	[hbm4b:s16+s4] =	stream.linear.scatter [tilespmem:s21], [sflag:$0x8], $0x4000, $0x38;
	[tilespmem:$0x15C00] =	vst v63  }
0x112: {  	_ =	swait.ge @!p0 [sflag:s6], $0x4000  }
0x113: {  	s31 =	simm.s32 @!p0 $0x9C00;
	[sflag:s6] =	ssyncset.done @!p0 $0x0  }
0x114: {  	s16 =	simm.s32 @!p0 $0x80;
	[sflag:s6] =	ssyncadd.s32 @!p0 $0xFFFFC000;
	s6 =	sadd.s32 @!p0 $0x380, s12  }
0x115: {  	[tilespmem:s31], [sflag:$0x3] =	stream.indirect.gather @!p0 [hbm4b:s1+s16], $0x80, s6, s16, $0xb8;
	[tilespmem:$0x15C00] =	vst v63  }
0x116: {  	_ =	swait.ge [sflag:s29], $0x4000  }
0x117: {  	[sflag:s29] =	ssyncset.done $0x0  }
0x118: {  	s6 =	simm.s32 $0xDC00;
	[sflag:s29] =	ssyncadd.s32 $0xFFFFC000  }
0x119: {  	v0 =	vld [tilespmem:s6+$0x1F0]  }
0x11a: {  	v1 =	vld [tilespmem:s6+$0x10]  }
0x11b: {  	v2 =	vld [tilespmem:s6+$0x20]  }
0x11c: {  	v3 =	vld [tilespmem:s6+$0x30]  }
0x11d: {  	v6 =	vld [tilespmem:s6+$0x60]  }
0x11e: {  	v4 =	vld [tilespmem:s6+$0x40]  }
0x11f: {  	v5 =	vld [tilespmem:s6+$0x50];
	v0 =	vmul.f32 $1.131370830e+01, v0  }
0x120: {  	v8 =	vld [tilespmem:s6+$0x80];
	v1 =	vmul.f32 $1.131370830e+01, v1  }
0x121: {  	v7 =	vld [tilespmem:s6+$0x70];
	v2 =	vmul.f32 $1.131370830e+01, v2;
	[tilespmem:s6+$0x1F0] =	vst v0  }
0x122: {  	v6 =	vmul.f32 $1.131370830e+01, v6;
	v0 =	vld [tilespmem:s6+$0x90];
	[tilespmem:s6+$0x10] =	vst v1  }
0x123: {  	v1 =	vmul.f32 $1.131370830e+01, v3;
	v3 =	vld [tilespmem:s6+$0xA0];
	[tilespmem:s6+$0x20] =	vst v2;
	v2 =	vmul.f32 $1.131370830e+01, v4  }
0x124: {  	[tilespmem:s6+$0x60] =	vst v6;
	v6 =	vld [tilespmem:s6+$0xF0]  }
0x125: {  	v4 =	vld [tilespmem:s6+$0xB0];
	[tilespmem:s6+$0x40] =	vst v2;
	v2 =	vmul.f32 $1.131370830e+01, v8  }
0x126: {  	[tilespmem:s6+$0x30] =	vst v1;
	v1 =	vmul.f32 $1.131370830e+01, v5;
	v5 =	vld [tilespmem:s6+$0xC0]  }
0x127: {  	v8 =	vld [tilespmem:s6+$0xD0];
	[tilespmem:s6+$0x80] =	vst v2;
	v2 =	vmul.f32 $1.131370830e+01, v7  }
0x128: {  	[tilespmem:s6+$0x50] =	vst v1;
	v1 =	vld [tilespmem:s6+$0xE0];
	v0 =	vmul.f32 $1.131370830e+01, v0  }
0x129: {  	v7 =	vld [tilespmem:s6+$0x130];
	v6 =	vmul.f32 $1.131370830e+01, v6;
	[tilespmem:s6+$0x70] =	vst v2  }
0x12a: {  	v2 =	vmul.f32 $1.131370830e+01, v3;
	v3 =	vld [tilespmem:s6+$0x100];
	[tilespmem:s6+$0x90] =	vst v0  }
0x12b: {  	v0 =	vmul.f32 $1.131370830e+01, v4;
	v4 =	vld [tilespmem:s6+$0x110];
	[tilespmem:s6+$0xF0] =	vst v6  }
0x12c: {  	[tilespmem:s6+$0xA0] =	vst v2;
	v2 =	vmul.f32 $1.131370830e+01, v5;
	v5 =	vld [tilespmem:s6+$0x120]  }
0x12d: {  	v6 =	vld [tilespmem:s6+$0x180];
	[tilespmem:s6+$0xB0] =	vst v0;
	v0 =	vmul.f32 $1.131370830e+01, v8  }
0x12e: {  	v1 =	vmul.f32 $1.131370830e+01, v1;
	[tilespmem:s6+$0xC0] =	vst v2;
	v2 =	vld [tilespmem:s6+$0x140]  }
0x12f: {  	[tilespmem:s6+$0xD0] =	vst v0;
	v0 =	vmul.f32 $1.131370830e+01, v3  }
0x130: {  	v3 =	vld [tilespmem:s6+$0x150];
	[tilespmem:s6+$0xE0] =	vst v1;
	v4 =	vmul.f32 $1.131370830e+01, v4  }
0x131: {  	v1 =	vld [tilespmem:s6+$0x160];
	[tilespmem:s6+$0x100] =	vst v0;
	v0 =	vmul.f32 $1.131370830e+01, v5  }
0x132: {  	v6 =	vmul.f32 $1.131370830e+01, v6;
	v5 =	vld [tilespmem:s6+$0x170];
	[tilespmem:s6+$0x110] =	vst v4  }
0x133: {  	v4 =	vmul.f32 $1.131370830e+01, v7;
	v7 =	vld [tilespmem:s6+$0x190];
	[tilespmem:s6+$0x120] =	vst v0;
	v0 =	vmul.f32 $1.131370830e+01, v2  }
0x134: {  	v8 =	vld [tilespmem:s6+$0x1A0];
	[tilespmem:s6+$0x180] =	vst v6  }
0x135: {  	v2 =	vmul.f32 $1.131370830e+01, v3;
	[tilespmem:s6+$0x140] =	vst v0;
	v0 =	vld [tilespmem:s6+$0x1B0]  }
0x136: {  	[tilespmem:s6+$0x130] =	vst v4;
	v3 =	vmul.f32 $1.131370830e+01, v1;
	v1 =	vld [tilespmem:s6+$0x1C0]  }
0x137: {  	[tilespmem:s6+$0x150] =	vst v2;
	v4 =	vmul.f32 $1.131370830e+01, v5;
	v2 =	vld [tilespmem:s6+$0x1D0]  }
0x138: {  	[tilespmem:s6+$0x160] =	vst v3;
	v3 =	vld [tilespmem:s6+$0x1E0];
	v5 =	vmul.f32 $1.131370830e+01, v7  }
0x139: {  	s16 =	simm.s32 $0x0;
	s31 =	simm.s32 $0xDE00;
	v6 =	vmul.f32 $1.131370830e+01, v8;
	[tilespmem:s6+$0x170] =	vst v4;
	v4 =	vld [tilespmem:s6+$0x0]  }
.LBB2_9:
0x13a: {  	v7 =	vld [tilespmem:s31+$0x1F0];
	s16 =	sadd.s32 $0x4, s16;
	[tilespmem:s6+$0x190] =	vst v5;
	v0 =	vmul.f32 $1.131370830e+01, v0  }
0x13b: {  	v5 =	vld [tilespmem:s31+$0x10];
	p1 =	slt.u32 s16, $0x7C;
	[tilespmem:s6+$0x1A0] =	vst v6;
	v1 =	vmul.f32 $1.131370830e+01, v1  }
0x13c: {  	v6 =	vld [tilespmem:s31+$0x20];
	[tilespmem:s6+$0x1B0] =	vst v0;
	v0 =	vmul.f32 $1.131370830e+01, v2  }
0x13d: {  	v2 =	vld [tilespmem:s31+$0x30];
	[tilespmem:s6+$0x1C0] =	vst v1;
	v1 =	vmul.f32 $1.131370830e+01, v3  }
0x13e: {  	v3 =	vld [tilespmem:s31+$0x40];
	v4 =	vmul.f32 $1.131370830e+01, v4;
	[tilespmem:s6+$0x1D0] =	vst v0  }
0x13f: {  	v0 =	vld [tilespmem:s31+$0x50];
	v7 =	vmul.f32 $1.131370830e+01, v7;
	[tilespmem:s6+$0x1E0] =	vst v1  }
0x140: {  	v1 =	vmul.f32 $1.131370830e+01, v5;
	v5 =	vld [tilespmem:s31+$0x60];
	[tilespmem:s6+$0x0] =	vst v4;
	s6 =	smov.u32 s31  }
0x141: {  	v4 =	vmul.f32 $1.131370830e+01, v6;
	v6 =	vld [tilespmem:s31+$0x70];
	[tilespmem:s31+$0x1F0] =	vst v7  }
0x142: {  	[tilespmem:s31+$0x10] =	vst v1;
	v1 =	vmul.f32 $1.131370830e+01, v2;
	v2 =	vld [tilespmem:s31+$0x80]  }
0x143: {  	[tilespmem:s31+$0x20] =	vst v4;
	v3 =	vmul.f32 $1.131370830e+01, v3;
	v4 =	vld [tilespmem:s31+$0x90]  }
0x144: {  	[tilespmem:s31+$0x30] =	vst v1;
	v0 =	vmul.f32 $1.131370830e+01, v0;
	v1 =	vld [tilespmem:s31+$0xA0]  }
0x145: {  	[tilespmem:s31+$0x40] =	vst v3;
	v3 =	vmul.f32 $1.131370830e+01, v5;
	v5 =	vld [tilespmem:s31+$0xB0]  }
0x146: {  	[tilespmem:s31+$0x50] =	vst v0;
	v0 =	vmul.f32 $1.131370830e+01, v6;
	v6 =	vld [tilespmem:s31+$0xC0]  }
0x147: {  	[tilespmem:s31+$0x60] =	vst v3;
	v2 =	vmul.f32 $1.131370830e+01, v2;
	v3 =	vld [tilespmem:s31+$0xD0]  }
0x148: {  	[tilespmem:s31+$0x70] =	vst v0;
	v0 =	vmul.f32 $1.131370830e+01, v4;
	v4 =	vld [tilespmem:s31+$0xE0]  }
0x149: {  	[tilespmem:s31+$0x80] =	vst v2;
	v1 =	vmul.f32 $1.131370830e+01, v1;
	v2 =	vld [tilespmem:s31+$0xF0]  }
0x14a: {  	[tilespmem:s31+$0x90] =	vst v0;
	v0 =	vmul.f32 $1.131370830e+01, v5;
	v5 =	vld [tilespmem:s31+$0x100]  }
0x14b: {  	[tilespmem:s31+$0xA0] =	vst v1;
	v1 =	vmul.f32 $1.131370830e+01, v6;
	v6 =	vld [tilespmem:s31+$0x110]  }
0x14c: {  	[tilespmem:s31+$0xB0] =	vst v0;
	v0 =	vmul.f32 $1.131370830e+01, v3;
	v3 =	vld [tilespmem:s31+$0x120]  }
0x14d: {  	[tilespmem:s31+$0xC0] =	vst v1;
	v1 =	vmul.f32 $1.131370830e+01, v4;
	v4 =	vld [tilespmem:s31+$0x130]  }
0x14e: {  	[tilespmem:s31+$0xD0] =	vst v0;
	v0 =	vmul.f32 $1.131370830e+01, v2;
	v2 =	vld [tilespmem:s31+$0x140]  }
0x14f: {  	[tilespmem:s31+$0xE0] =	vst v1;
	v1 =	vmul.f32 $1.131370830e+01, v5;
	v5 =	vld [tilespmem:s31+$0x150]  }
0x150: {  	[tilespmem:s31+$0xF0] =	vst v0;
	v0 =	vmul.f32 $1.131370830e+01, v6;
	v6 =	vld [tilespmem:s31+$0x160]  }
0x151: {  	[tilespmem:s31+$0x100] =	vst v1;
	v1 =	vmul.f32 $1.131370830e+01, v3;
	v3 =	vld [tilespmem:s31+$0x170]  }
0x152: {  	[tilespmem:s31+$0x110] =	vst v0;
	v0 =	vmul.f32 $1.131370830e+01, v4;
	v4 =	vld [tilespmem:s31+$0x180]  }
0x153: {  	[tilespmem:s31+$0x120] =	vst v1;
	v1 =	vmul.f32 $1.131370830e+01, v2;
	v7 =	vld [tilespmem:s31+$0x190]  }
0x154: {  	[tilespmem:s31+$0x130] =	vst v0;
	v2 =	vmul.f32 $1.131370830e+01, v5;
	v8 =	vld [tilespmem:s31+$0x1A0]  }
.Ltmp3:
0x155: {  	[tilespmem:s31+$0x140] =	vst v1;
	v5 =	vmul.f32 $1.131370830e+01, v6;
	v0 =	vld [tilespmem:s31+$0x1B0];
	(pc) =	sbr.rel @p1 .LBB2_9-.Ltmp3, $4  }
0x156: {  	[tilespmem:s31+$0x150] =	vst v2;
	v3 =	vmul.f32 $1.131370830e+01, v3;
	v1 =	vld [tilespmem:s31+$0x1C0]  }
0x157: {  	[tilespmem:s31+$0x160] =	vst v5;
	v6 =	vmul.f32 $1.131370830e+01, v4;
	v2 =	vld [tilespmem:s31+$0x1D0]  }
0x158: {  	[tilespmem:s31+$0x170] =	vst v3;
	v5 =	vmul.f32 $1.131370830e+01, v7;
	v3 =	vld [tilespmem:s31+$0x1E0]  }
0x159: {  	s31 =	sadd.s32 $0x200, s31;
	v4 =	vld [tilespmem:s6+$0x0];
	[tilespmem:s6+$0x180] =	vst v6;
	v6 =	vmul.f32 $1.131370830e+01, v8  }
0x15a: {  	[tilespmem:s6+$0x190] =	vst v5;
	v0 =	vmul.f32 $1.131370830e+01, v0  }
0x15b: {  	[tilespmem:s6+$0x1A0] =	vst v6;
	v1 =	vmul.f32 $1.131370830e+01, v1  }
0x15c: {  	[tilespmem:s6+$0x1B0] =	vst v0;
	v0 =	vmul.f32 $1.131370830e+01, v2  }
0x15d: {  	[tilespmem:s6+$0x1C0] =	vst v1;
	v1 =	vmul.f32 $1.131370830e+01, v3  }
0x15e: {  	s7 =	sadd.s32 s10, s7;
	v2 =	vmul.f32 $1.131370830e+01, v4;
	[tilespmem:s6+$0x1D0] =	vst v0  }
0x15f: {  	s7 =	sshll.u32 s7, $0x4;
	[tilespmem:s6+$0x1E0] =	vst v1  }
0x160: {  	s31 =	sadd.s32 s3, s7;
	[tilespmem:s6+$0x0] =	vst v2;
	s6 =	simm.s32 @!p0 $0x9  }
0x161: {  	[hbm4b:s31+s4] =	stream.linear.scatter [tilespmem:s23], [sflag:$0x9], $0x4000, $0x38;
	[tilespmem:$0x15C00] =	vst v63  }
0x162: {  	_ =	swait.ge @!p0 [sflag:s6], $0x4000  }
0x163: {  	s7 =	simm.s32 @!p0 $0x80;
	[sflag:s6] =	ssyncset.done @!p0 $0x0  }
0x164: {  	[sflag:s6] =	ssyncadd.s32 @!p0 $0xFFFFC000;
	s6 =	sadd.s32 @!p0 $0x400, s12;
	s12 =	simm.s32 @!p0 $0xDC00  }
0x165: {  	[tilespmem:s12], [sflag:$0x4] =	stream.indirect.gather @!p0 [hbm4b:s1+s7], $0x80, s6, s7, $0xb8;
	[tilespmem:$0x15C00] =	vst v63  }
0x166: {  	_ =	swait.ge [sflag:s30], $0x4000  }
0x167: {  	[sflag:s30] =	ssyncset.done $0x0  }
0x168: {  	s6 =	simm.s32 $0x11C00;
	[sflag:s30] =	ssyncadd.s32 $0xFFFFC000  }
0x169: {  	v0 =	vld [tilespmem:s6+$0x1F0]  }
0x16a: {  	v1 =	vld [tilespmem:s6+$0x10]  }
0x16b: {  	v2 =	vld [tilespmem:s6+$0x20]  }
0x16c: {  	v3 =	vld [tilespmem:s6+$0x30]  }
0x16d: {  	v6 =	vld [tilespmem:s6+$0x60]  }
0x16e: {  	v4 =	vld [tilespmem:s6+$0x40]  }
0x16f: {  	v5 =	vld [tilespmem:s6+$0x50];
	v0 =	vmul.f32 $1.131370830e+01, v0  }
0x170: {  	v8 =	vld [tilespmem:s6+$0x80];
	v1 =	vmul.f32 $1.131370830e+01, v1  }
0x171: {  	v7 =	vld [tilespmem:s6+$0x70];
	v2 =	vmul.f32 $1.131370830e+01, v2;
	[tilespmem:s6+$0x1F0] =	vst v0  }
0x172: {  	v6 =	vmul.f32 $1.131370830e+01, v6;
	v0 =	vld [tilespmem:s6+$0x90];
	[tilespmem:s6+$0x10] =	vst v1  }
0x173: {  	v1 =	vmul.f32 $1.131370830e+01, v3;
	v3 =	vld [tilespmem:s6+$0xA0];
	[tilespmem:s6+$0x20] =	vst v2;
	v2 =	vmul.f32 $1.131370830e+01, v4  }
0x174: {  	[tilespmem:s6+$0x60] =	vst v6;
	v6 =	vld [tilespmem:s6+$0xF0]  }
0x175: {  	v4 =	vld [tilespmem:s6+$0xB0];
	[tilespmem:s6+$0x40] =	vst v2;
	v2 =	vmul.f32 $1.131370830e+01, v8  }
0x176: {  	[tilespmem:s6+$0x30] =	vst v1;
	v1 =	vmul.f32 $1.131370830e+01, v5;
	v5 =	vld [tilespmem:s6+$0xC0]  }
0x177: {  	v8 =	vld [tilespmem:s6+$0xD0];
	[tilespmem:s6+$0x80] =	vst v2;
	v2 =	vmul.f32 $1.131370830e+01, v7  }
0x178: {  	[tilespmem:s6+$0x50] =	vst v1;
	v1 =	vld [tilespmem:s6+$0xE0];
	v0 =	vmul.f32 $1.131370830e+01, v0  }
0x179: {  	v7 =	vld [tilespmem:s6+$0x130];
	v6 =	vmul.f32 $1.131370830e+01, v6;
	[tilespmem:s6+$0x70] =	vst v2  }
0x17a: {  	v2 =	vmul.f32 $1.131370830e+01, v3;
	v3 =	vld [tilespmem:s6+$0x100];
	[tilespmem:s6+$0x90] =	vst v0  }
0x17b: {  	v0 =	vmul.f32 $1.131370830e+01, v4;
	v4 =	vld [tilespmem:s6+$0x110];
	[tilespmem:s6+$0xF0] =	vst v6  }
0x17c: {  	[tilespmem:s6+$0xA0] =	vst v2;
	v2 =	vmul.f32 $1.131370830e+01, v5;
	v5 =	vld [tilespmem:s6+$0x120]  }
0x17d: {  	v6 =	vld [tilespmem:s6+$0x180];
	[tilespmem:s6+$0xB0] =	vst v0;
	v0 =	vmul.f32 $1.131370830e+01, v8  }
0x17e: {  	v1 =	vmul.f32 $1.131370830e+01, v1;
	[tilespmem:s6+$0xC0] =	vst v2;
	v2 =	vld [tilespmem:s6+$0x140]  }
0x17f: {  	[tilespmem:s6+$0xD0] =	vst v0;
	v0 =	vmul.f32 $1.131370830e+01, v3  }
0x180: {  	v3 =	vld [tilespmem:s6+$0x150];
	[tilespmem:s6+$0xE0] =	vst v1;
	v4 =	vmul.f32 $1.131370830e+01, v4  }
0x181: {  	v1 =	vld [tilespmem:s6+$0x160];
	[tilespmem:s6+$0x100] =	vst v0;
	v0 =	vmul.f32 $1.131370830e+01, v5  }
0x182: {  	v6 =	vmul.f32 $1.131370830e+01, v6;
	v5 =	vld [tilespmem:s6+$0x170];
	[tilespmem:s6+$0x110] =	vst v4  }
0x183: {  	v4 =	vmul.f32 $1.131370830e+01, v7;
	v7 =	vld [tilespmem:s6+$0x190];
	[tilespmem:s6+$0x120] =	vst v0;
	v0 =	vmul.f32 $1.131370830e+01, v2  }
0x184: {  	v8 =	vld [tilespmem:s6+$0x1A0];
	[tilespmem:s6+$0x180] =	vst v6  }
0x185: {  	v2 =	vmul.f32 $1.131370830e+01, v3;
	[tilespmem:s6+$0x140] =	vst v0;
	v0 =	vld [tilespmem:s6+$0x1B0]  }
0x186: {  	[tilespmem:s6+$0x130] =	vst v4;
	v3 =	vmul.f32 $1.131370830e+01, v1;
	v1 =	vld [tilespmem:s6+$0x1C0]  }
0x187: {  	[tilespmem:s6+$0x150] =	vst v2;
	v4 =	vmul.f32 $1.131370830e+01, v5;
	v2 =	vld [tilespmem:s6+$0x1D0]  }
0x188: {  	[tilespmem:s6+$0x160] =	vst v3;
	v3 =	vld [tilespmem:s6+$0x1E0];
	v5 =	vmul.f32 $1.131370830e+01, v7  }
0x189: {  	s7 =	simm.s32 $0x0;
	s12 =	simm.s32 $0x11E00;
	v6 =	vmul.f32 $1.131370830e+01, v8;
	[tilespmem:s6+$0x170] =	vst v4;
	v4 =	vld [tilespmem:s6+$0x0]  }
.LBB2_11:
0x18a: {  	v7 =	vld [tilespmem:s12+$0x1F0];
	s7 =	sadd.s32 $0x4, s7;
	[tilespmem:s6+$0x190] =	vst v5;
	v0 =	vmul.f32 $1.131370830e+01, v0  }
0x18b: {  	v5 =	vld [tilespmem:s12+$0x10];
	p0 =	slt.u32 s7, $0x7C;
	[tilespmem:s6+$0x1A0] =	vst v6;
	v1 =	vmul.f32 $1.131370830e+01, v1  }
0x18c: {  	v6 =	vld [tilespmem:s12+$0x20];
	[tilespmem:s6+$0x1B0] =	vst v0;
	v0 =	vmul.f32 $1.131370830e+01, v2  }
0x18d: {  	v2 =	vld [tilespmem:s12+$0x30];
	[tilespmem:s6+$0x1C0] =	vst v1;
	v1 =	vmul.f32 $1.131370830e+01, v3  }
0x18e: {  	v3 =	vld [tilespmem:s12+$0x40];
	v4 =	vmul.f32 $1.131370830e+01, v4;
	[tilespmem:s6+$0x1D0] =	vst v0  }
0x18f: {  	v0 =	vld [tilespmem:s12+$0x50];
	v7 =	vmul.f32 $1.131370830e+01, v7;
	[tilespmem:s6+$0x1E0] =	vst v1  }
0x190: {  	v1 =	vmul.f32 $1.131370830e+01, v5;
	v5 =	vld [tilespmem:s12+$0x60];
	[tilespmem:s6+$0x0] =	vst v4;
	s6 =	smov.u32 s12  }
0x191: {  	v4 =	vmul.f32 $1.131370830e+01, v6;
	v6 =	vld [tilespmem:s12+$0x70];
	[tilespmem:s12+$0x1F0] =	vst v7  }
0x192: {  	[tilespmem:s12+$0x10] =	vst v1;
	v1 =	vmul.f32 $1.131370830e+01, v2;
	v2 =	vld [tilespmem:s12+$0x80]  }
0x193: {  	[tilespmem:s12+$0x20] =	vst v4;
	v3 =	vmul.f32 $1.131370830e+01, v3;
	v4 =	vld [tilespmem:s12+$0x90]  }
0x194: {  	[tilespmem:s12+$0x30] =	vst v1;
	v0 =	vmul.f32 $1.131370830e+01, v0;
	v1 =	vld [tilespmem:s12+$0xA0]  }
0x195: {  	[tilespmem:s12+$0x40] =	vst v3;
	v3 =	vmul.f32 $1.131370830e+01, v5;
	v5 =	vld [tilespmem:s12+$0xB0]  }
0x196: {  	[tilespmem:s12+$0x50] =	vst v0;
	v0 =	vmul.f32 $1.131370830e+01, v6;
	v6 =	vld [tilespmem:s12+$0xC0]  }
0x197: {  	[tilespmem:s12+$0x60] =	vst v3;
	v2 =	vmul.f32 $1.131370830e+01, v2;
	v3 =	vld [tilespmem:s12+$0xD0]  }
0x198: {  	[tilespmem:s12+$0x70] =	vst v0;
	v0 =	vmul.f32 $1.131370830e+01, v4;
	v4 =	vld [tilespmem:s12+$0xE0]  }
0x199: {  	[tilespmem:s12+$0x80] =	vst v2;
	v1 =	vmul.f32 $1.131370830e+01, v1;
	v2 =	vld [tilespmem:s12+$0xF0]  }
0x19a: {  	[tilespmem:s12+$0x90] =	vst v0;
	v0 =	vmul.f32 $1.131370830e+01, v5;
	v5 =	vld [tilespmem:s12+$0x100]  }
0x19b: {  	[tilespmem:s12+$0xA0] =	vst v1;
	v1 =	vmul.f32 $1.131370830e+01, v6;
	v6 =	vld [tilespmem:s12+$0x110]  }
0x19c: {  	[tilespmem:s12+$0xB0] =	vst v0;
	v0 =	vmul.f32 $1.131370830e+01, v3;
	v3 =	vld [tilespmem:s12+$0x120]  }
0x19d: {  	[tilespmem:s12+$0xC0] =	vst v1;
	v1 =	vmul.f32 $1.131370830e+01, v4;
	v4 =	vld [tilespmem:s12+$0x130]  }
0x19e: {  	[tilespmem:s12+$0xD0] =	vst v0;
	v0 =	vmul.f32 $1.131370830e+01, v2;
	v2 =	vld [tilespmem:s12+$0x140]  }
0x19f: {  	[tilespmem:s12+$0xE0] =	vst v1;
	v1 =	vmul.f32 $1.131370830e+01, v5;
	v5 =	vld [tilespmem:s12+$0x150]  }
0x1a0: {  	[tilespmem:s12+$0xF0] =	vst v0;
	v0 =	vmul.f32 $1.131370830e+01, v6;
	v6 =	vld [tilespmem:s12+$0x160]  }
0x1a1: {  	[tilespmem:s12+$0x100] =	vst v1;
	v1 =	vmul.f32 $1.131370830e+01, v3;
	v3 =	vld [tilespmem:s12+$0x170]  }
0x1a2: {  	[tilespmem:s12+$0x110] =	vst v0;
	v0 =	vmul.f32 $1.131370830e+01, v4;
	v4 =	vld [tilespmem:s12+$0x180]  }
0x1a3: {  	[tilespmem:s12+$0x120] =	vst v1;
	v1 =	vmul.f32 $1.131370830e+01, v2;
	v7 =	vld [tilespmem:s12+$0x190]  }
0x1a4: {  	[tilespmem:s12+$0x130] =	vst v0;
	v2 =	vmul.f32 $1.131370830e+01, v5;
	v8 =	vld [tilespmem:s12+$0x1A0]  }
.Ltmp4:
0x1a5: {  	[tilespmem:s12+$0x140] =	vst v1;
	v5 =	vmul.f32 $1.131370830e+01, v6;
	v0 =	vld [tilespmem:s12+$0x1B0];
	(pc) =	sbr.rel @p0 .LBB2_11-.Ltmp4, $4  }
0x1a6: {  	[tilespmem:s12+$0x150] =	vst v2;
	v3 =	vmul.f32 $1.131370830e+01, v3;
	v1 =	vld [tilespmem:s12+$0x1C0]  }
0x1a7: {  	[tilespmem:s12+$0x160] =	vst v5;
	v6 =	vmul.f32 $1.131370830e+01, v4;
	v2 =	vld [tilespmem:s12+$0x1D0]  }
0x1a8: {  	[tilespmem:s12+$0x170] =	vst v3;
	v5 =	vmul.f32 $1.131370830e+01, v7;
	v3 =	vld [tilespmem:s12+$0x1E0]  }
0x1a9: {  	s12 =	sadd.s32 $0x200, s12;
	v4 =	vld [tilespmem:s6+$0x0];
	[tilespmem:s6+$0x180] =	vst v6;
	v6 =	vmul.f32 $1.131370830e+01, v8  }
0x1aa: {  	[tilespmem:s6+$0x190] =	vst v5;
	v0 =	vmul.f32 $1.131370830e+01, v0  }
0x1ab: {  	s20 =	sadd.s32 $0x1, s20;
	[tilespmem:s6+$0x1A0] =	vst v6;
	v1 =	vmul.f32 $1.131370830e+01, v1  }
0x1ac: {  	p0 =	sne.s32 s20, $0xA;
	[tilespmem:s6+$0x1B0] =	vst v0;
	v61 =	vmul.f32 $1.131370830e+01, v2  }
.Ltmp5:
0x1ad: {  	[tilespmem:s6+$0x1C0] =	vst v1;
	v62 =	vmul.f32 $1.131370830e+01, v3;
	(pc) =	sbr.rel @p0 .LBB2_2-.Ltmp5, $4  }
0x1ae: {  	v63 =	vmul.f32 $1.131370830e+01, v4;
	[tilespmem:s6+$0x1D0] =	vst v61  }
0x1af: {  	s7 =	sshll.u32 s22, $0x10;
	[tilespmem:s6+$0x1E0] =	vst v62  }
0x1b0: {  	s31 =	sadd.s32 s7, s11;
	[tilespmem:s6+$0x0] =	vst v63  }
0x1b1: {  	[hbm4b:s31+s4] =	stream.linear.scatter [tilespmem:s24], [sflag:$0xA], $0x4000, $0x38;
	[tilespmem:$0x15C00] =	vst v63  }
0x1b2: {  	s6 =	simm.s32 $0x6  }
0x1b3: {  	_ =	swait.ge [sflag:s6], $0x4000  }
0x1b4: {  	[sflag:s6] =	ssyncset.done $0x0  }
0x1b5: {  	[sflag:s6] =	ssyncadd.s32 $0xFFFFC000  }
0x1b6: {  	_ =	swait.ge [sflag:s0], $0x4000  }
0x1b7: {  	[sflag:s0] =	ssyncset.done $0x0  }
0x1b8: {  	[sflag:s0] =	ssyncadd.s32 $0xFFFFC000  }
0x1b9: {  	_ =	swait.ge [sflag:s2], $0x4000  }
0x1ba: {  	[sflag:s2] =	ssyncset.done $0x0  }
0x1bb: {  	[sflag:s2] =	ssyncadd.s32 $0xFFFFC000  }
0x1bc: {  	_ =	swait.ge [sflag:s13], $0x4000  }
0x1bd: {  	[sflag:s13] =	ssyncset.done $0x0  }
0x1be: {  	[sflag:s13] =	ssyncadd.s32 $0xFFFFC000  }
0x1bf: {  	_ =	swait.ge [sflag:s14], $0x4000  }
0x1c0: {  	s15 =	sadd.s32 $0x1, s15;
	s31 =	rddreg [dreg:$0x6]  }
0x1c1: {  	p0 =	sne.s32 s15, s31  }
.Ltmp6:
0x1c2: {  	_ = 	snop;
	(pc) =	sbr.rel @p0 .LBB2_1-.Ltmp6, $3  }
0x1c3: {  	_ =	sdelay $0x1  }
0x1c4: {  	[sflag:s14] =	ssyncset.done $0x0  }
0x1c5: {  	[sflag:s14] =	ssyncadd.s32 $0xFFFFC000  }
0x1c6: {  	_ =	sfence.sel $0x180000  }
0x1c7: {  	[bflag:$0x0] =	sbarrier.arrive $0xFFFF  }
0x1c8: {  	_ =	strace $0x90000047  }
0x1c9: {  	s0 =	stileid.u32;
	[bflag:$0x2] =	sbarrier.arrive $0xFFFF  }
0x1ca: {  	p0 =	sne.s32 s0, $0x0;
	s0 =	rddreg [dreg:$0x3]  }
0x1cb: {  	s0 =	sadd.s32 @!p0 $0x100000, s0  }
0x1cc: {  	[sflag:s0] =	ssyncadd.tile.s32 @!p0 $0x1;
	_ =	shalt  }
.Lfunc_end2:
_tile_overlayer_lowered:
.L_overlay_start_2:
0x1cd: {  	(tag) =	ssettag $0x2  }
0x1ce: {  	s0 =	rddreg [dreg:$0x0];
	s2 =	stileid.u32  }
0x1cf: {  	s1 =	rddreg [dreg:$0x1];
	p0 =	sne.s32 s2, $0x0  }
0x1d0: {  	s3 =	rddreg [dreg:$0x2];
	[bflag:$0x3] =	sbarrier.arrive $0xFFFF;
	s2 =	simm.s32 @!p0 $0x1C0B  }
0x1d1: {  	[timem:s3], [sflag:s2] =	dma.local @!p0 [hbm:s0], s1  }
0x1d2: {  	s0 =	simm.s32 @!p0 $0xB  }
0x1d3: {  	_ =	swait.ge @!p0 [sflag:s0], s1  }
0x1d4: {  	s1 =	ssub.s32 @!p0 $0x0, s1;
	[sflag:s0] =	ssyncset.done @!p0 $0x0  }
0x1d5: {  	[sflag:s0] =	ssyncadd.s32 @!p0 s1  }
0x1d6: {  	[bflag:$0x3] =	sbarrier.arrive $0xFFFF  }
0x1d7: {  	_ =	shalt  }

</sc_bundles>
